<compile_context>
chip_gen: v7x
topology: tpu7x:2x2x1
jax: 0.10.2.dev20260603
libtpu: 0.0.44.dev20260713+nightly
codegen_flags: <defaults>
</compile_context>

<pallas_src>
import functools

import jax
import jax.numpy as jnp
from jax import lax
from jax.experimental import pallas as pl
from jax.experimental.pallas import tpu as pltpu
from jax.experimental.pallas import tpu_sc as plsc

B = 4096
L = 200
DIM = 64
N = B * L
NW = 32
PER_W = N // NW
CH = 1024
G = CH // 128
NCH = PER_W // CH
EPS = 1e-6

VOC = 1000000
TW = 4096
NQ = -(-VOC // (4 * TW))
Q = NQ * TW
VOC2 = 4 * Q

@functools.cache
def _make_gather_sc():
    mesh = plsc.VectorSubcoreMesh(core_axis_name="c", subcore_axis_name="s")

    @functools.partial(
        pl.kernel,
        mesh=mesh,
        compiler_params=pltpu.CompilerParams(use_tc_tiling_on_sc=False),
        out_type=jax.ShapeDtypeStruct((N // 4, 128), jnp.int32),
        scratch_types=[
            pltpu.VMEM((G, 128), jnp.int32),
            pltpu.VMEM((CH, DIM // 2), jnp.int32),
            pltpu.SemaphoreType.DMA,
        ],
    )
    def _gather_sc(idx_hbm, table_hbm, out_hbm, idx_v, rows_v, sem):
        wid = lax.axis_index("s") * 2 + lax.axis_index("c")
        base = wid * PER_W

        def chunk(ci, carry):
            off = pl.multiple_of(base + ci * CH, CH)
            row0 = pl.multiple_of(off // 128, G)
            pltpu.sync_copy(idx_hbm.at[pl.ds(row0, G)], idx_v)
            cps = [
                pltpu.async_copy(
                    table_hbm.at[idx_v.at[g]],
                    rows_v.at[pl.ds(g * 128, 128)],
                    sem,
                )
                for g in range(G)
            ]
            for cp in cps:
                cp.wait()
            r0 = pl.multiple_of((off >> 12) * (B // 4), CH)
            e = pl.multiple_of(((off >> 10) & 3) * (DIM // 2), DIM // 2)
            pltpu.sync_copy(rows_v, out_hbm.at[pl.ds(r0, CH), pl.ds(e, DIM // 2)])
            return carry

        lax.fori_loop(0, NCH, chunk, 0)

    return _gather_sc


def _rne(u):
    return u + jnp.uint32(0x7FFF) + ((u >> jnp.uint32(16)) & jnp.uint32(1))


def _bf16_pack(a):
    r = lax.bitcast_convert_type(a, jnp.uint32)
    tu = _rne(r[: DIM // 2, :])
    tv = _rne(r[DIM // 2:, :])
    pk = (tu >> jnp.uint32(16)) | (tv & jnp.uint32(0xFFFF0000))
    return lax.bitcast_convert_type(pk, jnp.int32)


def _tpack_body(a_ref, b_ref, c_ref, d_ref, o_ref):
    pk = jnp.concatenate(
        [_bf16_pack(r[...]) for r in (a_ref, b_ref, c_ref, d_ref)], axis=0
    )
    o_ref[...] = pk.T


def _tpack_tc(tT):
    specs = [
        pl.BlockSpec(
            (DIM, TW), functools.partial(lambda j, i: (0, jnp.minimum(j * NQ + i, VOC // TW)), j)
        )
        for j in range(4)
    ]
    return pl.pallas_call(
        _tpack_body,
        out_shape=jax.ShapeDtypeStruct((Q, 128), jnp.int32),
        grid=(NQ,),
        in_specs=specs,
        out_specs=pl.BlockSpec((TW, 128), lambda i: (i, 0)),
    )(tT, tT, tT, tT)


LB = 8


def _ln_body(word_ref, seg_ref, pos_ref, par_ref, o_ref):
    q = lax.bitcast_convert_type(word_ref[...], jnp.uint32)
    gT = par_ref[:, 0:1]
    bT = par_ref[:, 1:2]
    st0 = par_ref[:, 2:3]
    st1 = par_ref[:, 3:4]
    for i in range(LB):
        qiT = q[i * (B // 4):(i + 1) * (B // 4)].T
        parts = []
        for j in range(4):
            qjT = qiT[j * (DIM // 2):(j + 1) * (DIM // 2)]
            u = lax.bitcast_convert_type(qjT << jnp.uint32(16), jnp.float32)
            v = lax.bitcast_convert_type(qjT & jnp.uint32(0xFFFF0000), jnp.float32)
            parts.append(jnp.concatenate([u, v], axis=0))
        wt = jnp.concatenate(parts, axis=1)
        sf = seg_ref[i].astype(jnp.float32)
        posl = pos_ref[i]
        emb = wt + posl + st0 + sf * (st1 - st0)
        mean = jnp.mean(emb, axis=0, keepdims=True)
        ex2 = jnp.mean(emb * emb, axis=0, keepdims=True)
        var = ex2 - mean * mean
        normed = (emb - mean) * lax.rsqrt(var + EPS)
        o_ref[i] = normed * gT + bT


def _ln_tc(wordT, seg3, pos3, par):
    return pl.pallas_call(
        _ln_body,
        out_shape=jax.ShapeDtypeStruct((L, DIM, B), jnp.float32),
        grid=(L // LB,),
        in_specs=[
            pl.BlockSpec((LB * B // 4, 128), lambda l: (l, 0)),
            pl.BlockSpec((LB, 1, B), lambda l: (l, 0, 0)),
            pl.BlockSpec((LB, DIM, 1), lambda l: (l, 0, 0)),
            pl.BlockSpec((DIM, 4), lambda l: (0, 0)),
        ],
        out_specs=pl.BlockSpec((LB, DIM, B), lambda l: (l, 0, 0)),
    )(wordT, seg3, pos3, par)


def kernel(x, seg, table, segtable, posemb, gamma, beta):
    xT = x.T.astype(jnp.int32)
    xp = 4 * (xT % Q) + xT // Q
    idx2 = xp.reshape(N // 128, 128)
    table_lin = _tpack_tc(table.T).reshape(VOC2, DIM // 2)
    word2 = _make_gather_sc()(idx2, table_lin)
    seg3 = seg.T.reshape(L, 1, B)
    pos3 = posemb[:L].reshape(L, DIM, 1)
    par = jnp.stack([gamma, beta, segtable[0], segtable[1]], axis=1)
    outT = _ln_tc(word2, seg3, pos3, par)
    return outT.transpose(2, 0, 1)

# --- scband reference (transcript-rebuilt; emitter-appended) ---
"""Pipeline reference for scband-embedding-12799002542582 (READ-ONLY COPY).

The authoritative reference and input builder live on the scoring server;
editing this copy changes nothing except your own understanding.
"""

import jax, jax.numpy as jnp
import numpy as np

VOC = 1000000
SEG = 2
DIM = 64
MAXLEN = 512
B = 4096
L = 200
EPS = 1e-6


def _trunc_normal(key, shape, stddev=0.02):
    return jax.random.truncated_normal(key, -2.0, 2.0, shape, dtype=jnp.float32) * stddev


def setup_inputs(seed: int = 0) -> dict:
    key = jax.random.key(seed)
    k1, k2, k3, k4, k5 = jax.random.split(key, 5)
    x = jax.random.randint(k1, (B, L), 0, VOC)
    seg = jax.random.randint(k2, (B, L), 0, SEG)
    table = _trunc_normal(k3, (VOC, DIM))
    segtable = _trunc_normal(k4, (SEG, DIM))
    posemb = _trunc_normal(k5, (MAXLEN, DIM))
    gamma = jnp.ones((DIM,), dtype=jnp.float32)
    beta = jnp.zeros((DIM,), dtype=jnp.float32)
    return {
        "x": x,
        "seg": seg,
        "table": table,
        "segtable": segtable,
        "posemb": posemb,
        "gamma": gamma,
        "beta": beta,
    }


def reference(x, seg, table, segtable, posemb, gamma, beta):
    # word embedding lookup + segment embedding lookup + sliced position embedding
    word = jnp.take(table, x, axis=0)          # [B, L, DIM]
    segm = jnp.take(segtable, seg, axis=0)     # [B, L, DIM]
    pos = posemb[: x.shape[1], :]              # [L, DIM], broadcast over batch
    emb = word + segm + pos
    # LayerNormalization over last axis, eps=1e-6 (inference: dropout is identity)
    mean = jnp.mean(emb, axis=-1, keepdims=True)
    var = jnp.mean(jnp.square(emb - mean), axis=-1, keepdims=True)
    normed = (emb - mean) / jnp.sqrt(var + EPS)
    out = normed * gamma + beta
    return out

if __name__ == "__main__":
    import jax
    _d = setup_inputs()
    print(jax.jit(kernel)(*tuple(_d.values())))

</pallas_src>

<mosaic_0001>
#map = affine_map<(d0, d1) -> (0, 0)>
module attributes {stable_mosaic.version = 14 : i64} {
  func.func @_gather_sc(%arg0: i32, %arg1: i32, %arg2: memref<6400x128xi32, #tpu.memory_space<hbm>>, %arg3: memref<1015808x32xi32, #tpu.memory_space<hbm>>, %arg4: memref<204800x128xi32, #tpu.memory_space<hbm>>, %arg5: memref<8x128xi32, #tpu.memory_space<vmem>>, %arg6: memref<1024x32xi32, #tpu.memory_space<vmem>>, %arg7: memref<!tpu.dma_semaphore, #tpu.memory_space<semaphore_mem>>) attributes {dimension_semantics = [#tpu.dimension_semantics<core_parallel>, #tpu.dimension_semantics<subcore_parallel>], iteration_bounds = array<i64: 2, 16>, scalar_prefetch = 0 : i64, scratch_operands = 3 : i64, tpu.core_type = #tpu.core_type<sc_vector_subcore>, window_params = [{transform_indices = #map}, {transform_indices = #map}, {transform_indices = #map}]} {
    %mul3A = arith.constant 2 : i32
    %mul3A_0 = arith.muli %arg1, %mul3A : i32
    %add3A = arith.addi %mul3A_0, %arg0 : i32
    %mul3A_1 = arith.constant 25600 : i32
    %mul3A_2 = arith.muli %add3A, %mul3A_1 : i32
    %scan3A = arith.constant 0 : i32
    %scan3A_3 = arith.constant 0 : i32
    %scan3A_4 = arith.constant 25 : i32
    %scan3A_5 = arith.addi %scan3A_3, %scan3A_4 : i32
    %scan3A_6 = arith.constant 1 : i32
    scf.for %scan3A_8 = %scan3A_3 to %scan3A_5 step %scan3A_6  : i32 {
      %mul3A_9 = arith.constant 1024 : i32
      %mul3A_10 = arith.muli %scan3A_8, %mul3A_9 : i32
      %add3A_11 = arith.addi %mul3A_2, %mul3A_10 : i32
      %multiple_of3A = tpu.assume_multiple %add3A_11, 1024 : i32
      %jit3A = arith.constant 128 : i32
      %div3A = arith.divsi %multiple_of3A, %jit3A : i32
      %sign3A = arith.constant 0 : i32
      %sign3A_12 = arith.cmpi sgt, %multiple_of3A, %sign3A : i32
      %sign3A_13 = arith.extui %sign3A_12 : i1 to i32
      %sign3A_14 = arith.constant 0 : i32
      %sign3A_15 = arith.cmpi slt, %multiple_of3A, %sign3A_14 : i32
      %sign3A_16 = arith.extui %sign3A_15 : i1 to i32
      %sign3A_17 = arith.subi %sign3A_13, %sign3A_16 : i32
      %sign3A_18 = arith.constant 0 : i32
      %sign3A_19 = arith.cmpi sgt, %jit3A, %sign3A_18 : i32
      %sign3A_20 = arith.extui %sign3A_19 : i1 to i32
      %sign3A_21 = arith.constant 0 : i32
      %sign3A_22 = arith.cmpi slt, %jit3A, %sign3A_21 : i32
      %sign3A_23 = arith.extui %sign3A_22 : i1 to i32
      %sign3A_24 = arith.subi %sign3A_20, %sign3A_23 : i32
      %ne3A = arith.cmpi ne, %sign3A_17, %sign3A_24 : i32
      %rem3A = arith.remsi %multiple_of3A, %jit3A : i32
      %ne3A_25 = arith.constant 0 : i32
      %ne3A_26 = arith.cmpi ne, %rem3A, %ne3A_25 : i32
      %and3A = arith.andi %ne3A, %ne3A_26 : i1
      %sub3A = arith.constant 1 : i32
      %sub3A_27 = arith.subi %div3A, %sub3A : i32
      %select_n3A = arith.select %and3A, %sub3A_27, %div3A : i32
      %multiple_of3A_28 = tpu.assume_multiple %select_n3A, 8 : i32
      "tpu.region"() ({
        %run_scoped3A = tpu.sem_alloc : memref<!tpu.dma_semaphore, #tpu.memory_space<semaphore_mem>>
        %dma_start3A_198 = arith.constant 0 : i32
        %dma_start3A_199 = tpu.memref_slice %arg2[%multiple_of3A_28, %dma_start3A_198] : memref<6400x128xi32, #tpu.memory_space<hbm>> -> memref<8x128xi32, #tpu.memory_space<hbm>>
        %dma_start3A_200 = arith.constant 0 : i32
        %dma_start3A_201 = tpu.memref_slice %arg2[%multiple_of3A_28, %dma_start3A_200] : memref<6400x128xi32, #tpu.memory_space<hbm>> -> memref<8x128xi32, #tpu.memory_space<hbm>>
        tpu.enqueue_dma source(%dma_start3A_201 : memref<8x128xi32, #tpu.memory_space<hbm>>) target(%arg5 : memref<8x128xi32, #tpu.memory_space<vmem>>) target_semaphore(%run_scoped3A : memref<!tpu.dma_semaphore, #tpu.memory_space<semaphore_mem>>)
        %dma_wait3A_202 = arith.constant 0 : i32
        %dma_wait3A_203 = tpu.memref_slice %arg2[%multiple_of3A_28, %dma_wait3A_202] : memref<6400x128xi32, #tpu.memory_space<hbm>> -> memref<8x128xi32, #tpu.memory_space<hbm>>
        %dma_wait3A_204 = arith.constant 0 : i32
        %dma_wait3A_205 = tpu.memref_slice %arg2[%multiple_of3A_28, %dma_wait3A_204] : memref<6400x128xi32, #tpu.memory_space<hbm>> -> memref<8x128xi32, #tpu.memory_space<hbm>>
        tpu.wait_dma2 semaphore(%run_scoped3A : memref<!tpu.dma_semaphore, #tpu.memory_space<semaphore_mem>>) src(%dma_wait3A_205 : memref<8x128xi32, #tpu.memory_space<hbm>>) dst(%arg5 : memref<8x128xi32, #tpu.memory_space<vmem>>)
        tpu.yield
      }) : () -> ()
      %dma_start3A = arith.constant 0 : i32
      %dma_start3A_29 = arith.constant 0 : i32
      %dma_start3A_30 = arith.constant 0 : i32
      %dma_start3A_31 = tpu.memref_slice %arg6[%dma_start3A_29, %dma_start3A_30] : memref<1024x32xi32, #tpu.memory_space<vmem>> -> memref<128x32xi32, #tpu.memory_space<vmem>>
      %dma_start3A_32 = arith.constant 0 : i32
      %dma_start3A_33 = tpu.memref_slice %arg5[%dma_start3A, %dma_start3A_32] : memref<8x128xi32, #tpu.memory_space<vmem>> -> memref<1x128xi32, #tpu.memory_space<vmem>>
      %dma_start3A_34 = tpu.memref_squeeze %dma_start3A_33 : memref<1x128xi32, #tpu.memory_space<vmem>> -> memref<128xi32, #tpu.memory_space<vmem>>
      %dma_start3A_35 = arith.constant 0 : i32
      %dma_start3A_36 = arith.constant 0 : i32
      %dma_start3A_37 = tpu.memref_slice %arg3[%dma_start3A_35, %dma_start3A_36] : memref<1015808x32xi32, #tpu.memory_space<hbm>> -> memref<1015808x32xi32, #tpu.memory_space<hbm>>
      tpu.enqueue_indirect_dma source(%dma_start3A_37 : memref<1015808x32xi32, #tpu.memory_space<hbm>>) target(%dma_start3A_31 : memref<128x32xi32, #tpu.memory_space<vmem>>) offsets(%dma_start3A_34 : memref<128xi32, #tpu.memory_space<vmem>>) semaphore(%arg7 : memref<!tpu.dma_semaphore, #tpu.memory_space<semaphore_mem>>)
      %dma_start3A_38 = arith.constant 1 : i32
      %dma_start3A_39 = arith.constant 128 : i32
      %dma_start3A_40 = arith.constant 0 : i32
      %dma_start3A_41 = tpu.memref_slice %arg6[%dma_start3A_39, %dma_start3A_40] : memref<1024x32xi32, #tpu.memory_space<vmem>> -> memref<128x32xi32, #tpu.memory_space<vmem>>
      %dma_start3A_42 = arith.constant 0 : i32
      %dma_start3A_43 = tpu.memref_slice %arg5[%dma_start3A_38, %dma_start3A_42] : memref<8x128xi32, #tpu.memory_space<vmem>> -> memref<1x128xi32, #tpu.memory_space<vmem>>
      %dma_start3A_44 = tpu.memref_squeeze %dma_start3A_43 : memref<1x128xi32, #tpu.memory_space<vmem>> -> memref<128xi32, #tpu.memory_space<vmem>>
      %dma_start3A_45 = arith.constant 0 : i32
      %dma_start3A_46 = arith.constant 0 : i32
      %dma_start3A_47 = tpu.memref_slice %arg3[%dma_start3A_45, %dma_start3A_46] : memref<1015808x32xi32, #tpu.memory_space<hbm>> -> memref<1015808x32xi32, #tpu.memory_space<hbm>>
      tpu.enqueue_indirect_dma source(%dma_start3A_47 : memref<1015808x32xi32, #tpu.memory_space<hbm>>) target(%dma_start3A_41 : memref<128x32xi32, #tpu.memory_space<vmem>>) offsets(%dma_start3A_44 : memref<128xi32, #tpu.memory_space<vmem>>) semaphore(%arg7 : memref<!tpu.dma_semaphore, #tpu.memory_space<semaphore_mem>>)
      %dma_start3A_48 = arith.constant 2 : i32
      %dma_start3A_49 = arith.constant 256 : i32
      %dma_start3A_50 = arith.constant 0 : i32
      %dma_start3A_51 = tpu.memref_slice %arg6[%dma_start3A_49, %dma_start3A_50] : memref<1024x32xi32, #tpu.memory_space<vmem>> -> memref<128x32xi32, #tpu.memory_space<vmem>>
      %dma_start3A_52 = arith.constant 0 : i32
      %dma_start3A_53 = tpu.memref_slice %arg5[%dma_start3A_48, %dma_start3A_52] : memref<8x128xi32, #tpu.memory_space<vmem>> -> memref<1x128xi32, #tpu.memory_space<vmem>>
      %dma_start3A_54 = tpu.memref_squeeze %dma_start3A_53 : memref<1x128xi32, #tpu.memory_space<vmem>> -> memref<128xi32, #tpu.memory_space<vmem>>
      %dma_start3A_55 = arith.constant 0 : i32
      %dma_start3A_56 = arith.constant 0 : i32
      %dma_start3A_57 = tpu.memref_slice %arg3[%dma_start3A_55, %dma_start3A_56] : memref<1015808x32xi32, #tpu.memory_space<hbm>> -> memref<1015808x32xi32, #tpu.memory_space<hbm>>
      tpu.enqueue_indirect_dma source(%dma_start3A_57 : memref<1015808x32xi32, #tpu.memory_space<hbm>>) target(%dma_start3A_51 : memref<128x32xi32, #tpu.memory_space<vmem>>) offsets(%dma_start3A_54 : memref<128xi32, #tpu.memory_space<vmem>>) semaphore(%arg7 : memref<!tpu.dma_semaphore, #tpu.memory_space<semaphore_mem>>)
      %dma_start3A_58 = arith.constant 3 : i32
      %dma_start3A_59 = arith.constant 384 : i32
      %dma_start3A_60 = arith.constant 0 : i32
      %dma_start3A_61 = tpu.memref_slice %arg6[%dma_start3A_59, %dma_start3A_60] : memref<1024x32xi32, #tpu.memory_space<vmem>> -> memref<128x32xi32, #tpu.memory_space<vmem>>
      %dma_start3A_62 = arith.constant 0 : i32
      %dma_start3A_63 = tpu.memref_slice %arg5[%dma_start3A_58, %dma_start3A_62] : memref<8x128xi32, #tpu.memory_space<vmem>> -> memref<1x128xi32, #tpu.memory_space<vmem>>
      %dma_start3A_64 = tpu.memref_squeeze %dma_start3A_63 : memref<1x128xi32, #tpu.memory_space<vmem>> -> memref<128xi32, #tpu.memory_space<vmem>>
      %dma_start3A_65 = arith.constant 0 : i32
      %dma_start3A_66 = arith.constant 0 : i32
      %dma_start3A_67 = tpu.memref_slice %arg3[%dma_start3A_65, %dma_start3A_66] : memref<1015808x32xi32, #tpu.memory_space<hbm>> -> memref<1015808x32xi32, #tpu.memory_space<hbm>>
      tpu.enqueue_indirect_dma source(%dma_start3A_67 : memref<1015808x32xi32, #tpu.memory_space<hbm>>) target(%dma_start3A_61 : memref<128x32xi32, #tpu.memory_space<vmem>>) offsets(%dma_start3A_64 : memref<128xi32, #tpu.memory_space<vmem>>) semaphore(%arg7 : memref<!tpu.dma_semaphore, #tpu.memory_space<semaphore_mem>>)
      %dma_start3A_68 = arith.constant 4 : i32
      %dma_start3A_69 = arith.constant 512 : i32
      %dma_start3A_70 = arith.constant 0 : i32
      %dma_start3A_71 = tpu.memref_slice %arg6[%dma_start3A_69, %dma_start3A_70] : memref<1024x32xi32, #tpu.memory_space<vmem>> -> memref<128x32xi32, #tpu.memory_space<vmem>>
      %dma_start3A_72 = arith.constant 0 : i32
      %dma_start3A_73 = tpu.memref_slice %arg5[%dma_start3A_68, %dma_start3A_72] : memref<8x128xi32, #tpu.memory_space<vmem>> -> memref<1x128xi32, #tpu.memory_space<vmem>>
      %dma_start3A_74 = tpu.memref_squeeze %dma_start3A_73 : memref<1x128xi32, #tpu.memory_space<vmem>> -> memref<128xi32, #tpu.memory_space<vmem>>
      %dma_start3A_75 = arith.constant 0 : i32
      %dma_start3A_76 = arith.constant 0 : i32
      %dma_start3A_77 = tpu.memref_slice %arg3[%dma_start3A_75, %dma_start3A_76] : memref<1015808x32xi32, #tpu.memory_space<hbm>> -> memref<1015808x32xi32, #tpu.memory_space<hbm>>
      tpu.enqueue_indirect_dma source(%dma_start3A_77 : memref<1015808x32xi32, #tpu.memory_space<hbm>>) target(%dma_start3A_71 : memref<128x32xi32, #tpu.memory_space<vmem>>) offsets(%dma_start3A_74 : memref<128xi32, #tpu.memory_space<vmem>>) semaphore(%arg7 : memref<!tpu.dma_semaphore, #tpu.memory_space<semaphore_mem>>)
      %dma_start3A_78 = arith.constant 5 : i32
      %dma_start3A_79 = arith.constant 640 : i32
      %dma_start3A_80 = arith.constant 0 : i32
      %dma_start3A_81 = tpu.memref_slice %arg6[%dma_start3A_79, %dma_start3A_80] : memref<1024x32xi32, #tpu.memory_space<vmem>> -> memref<128x32xi32, #tpu.memory_space<vmem>>
      %dma_start3A_82 = arith.constant 0 : i32
      %dma_start3A_83 = tpu.memref_slice %arg5[%dma_start3A_78, %dma_start3A_82] : memref<8x128xi32, #tpu.memory_space<vmem>> -> memref<1x128xi32, #tpu.memory_space<vmem>>
      %dma_start3A_84 = tpu.memref_squeeze %dma_start3A_83 : memref<1x128xi32, #tpu.memory_space<vmem>> -> memref<128xi32, #tpu.memory_space<vmem>>
      %dma_start3A_85 = arith.constant 0 : i32
      %dma_start3A_86 = arith.constant 0 : i32
      %dma_start3A_87 = tpu.memref_slice %arg3[%dma_start3A_85, %dma_start3A_86] : memref<1015808x32xi32, #tpu.memory_space<hbm>> -> memref<1015808x32xi32, #tpu.memory_space<hbm>>
      tpu.enqueue_indirect_dma source(%dma_start3A_87 : memref<1015808x32xi32, #tpu.memory_space<hbm>>) target(%dma_start3A_81 : memref<128x32xi32, #tpu.memory_space<vmem>>) offsets(%dma_start3A_84 : memref<128xi32, #tpu.memory_space<vmem>>) semaphore(%arg7 : memref<!tpu.dma_semaphore, #tpu.memory_space<semaphore_mem>>)
      %dma_start3A_88 = arith.constant 6 : i32
      %dma_start3A_89 = arith.constant 768 : i32
      %dma_start3A_90 = arith.constant 0 : i32
      %dma_start3A_91 = tpu.memref_slice %arg6[%dma_start3A_89, %dma_start3A_90] : memref<1024x32xi32, #tpu.memory_space<vmem>> -> memref<128x32xi32, #tpu.memory_space<vmem>>
      %dma_start3A_92 = arith.constant 0 : i32
      %dma_start3A_93 = tpu.memref_slice %arg5[%dma_start3A_88, %dma_start3A_92] : memref<8x128xi32, #tpu.memory_space<vmem>> -> memref<1x128xi32, #tpu.memory_space<vmem>>
      %dma_start3A_94 = tpu.memref_squeeze %dma_start3A_93 : memref<1x128xi32, #tpu.memory_space<vmem>> -> memref<128xi32, #tpu.memory_space<vmem>>
      %dma_start3A_95 = arith.constant 0 : i32
      %dma_start3A_96 = arith.constant 0 : i32
      %dma_start3A_97 = tpu.memref_slice %arg3[%dma_start3A_95, %dma_start3A_96] : memref<1015808x32xi32, #tpu.memory_space<hbm>> -> memref<1015808x32xi32, #tpu.memory_space<hbm>>
      tpu.enqueue_indirect_dma source(%dma_start3A_97 : memref<1015808x32xi32, #tpu.memory_space<hbm>>) target(%dma_start3A_91 : memref<128x32xi32, #tpu.memory_space<vmem>>) offsets(%dma_start3A_94 : memref<128xi32, #tpu.memory_space<vmem>>) semaphore(%arg7 : memref<!tpu.dma_semaphore, #tpu.memory_space<semaphore_mem>>)
      %dma_start3A_98 = arith.constant 7 : i32
      %dma_start3A_99 = arith.constant 896 : i32
      %dma_start3A_100 = arith.constant 0 : i32
      %dma_start3A_101 = tpu.memref_slice %arg6[%dma_start3A_99, %dma_start3A_100] : memref<1024x32xi32, #tpu.memory_space<vmem>> -> memref<128x32xi32, #tpu.memory_space<vmem>>
      %dma_start3A_102 = arith.constant 0 : i32
      %dma_start3A_103 = tpu.memref_slice %arg5[%dma_start3A_98, %dma_start3A_102] : memref<8x128xi32, #tpu.memory_space<vmem>> -> memref<1x128xi32, #tpu.memory_space<vmem>>
      %dma_start3A_104 = tpu.memref_squeeze %dma_start3A_103 : memref<1x128xi32, #tpu.memory_space<vmem>> -> memref<128xi32, #tpu.memory_space<vmem>>
      %dma_start3A_105 = arith.constant 0 : i32
      %dma_start3A_106 = arith.constant 0 : i32
      %dma_start3A_107 = tpu.memref_slice %arg3[%dma_start3A_105, %dma_start3A_106] : memref<1015808x32xi32, #tpu.memory_space<hbm>> -> memref<1015808x32xi32, #tpu.memory_space<hbm>>
      tpu.enqueue_indirect_dma source(%dma_start3A_107 : memref<1015808x32xi32, #tpu.memory_space<hbm>>) target(%dma_start3A_101 : memref<128x32xi32, #tpu.memory_space<vmem>>) offsets(%dma_start3A_104 : memref<128xi32, #tpu.memory_space<vmem>>) semaphore(%arg7 : memref<!tpu.dma_semaphore, #tpu.memory_space<semaphore_mem>>)
      %dma_wait3A = arith.constant 0 : i32
      %dma_wait3A_108 = arith.constant 0 : i32
      %dma_wait3A_109 = arith.constant 0 : i32
      %dma_wait3A_110 = tpu.memref_slice %arg6[%dma_wait3A_108, %dma_wait3A_109] : memref<1024x32xi32, #tpu.memory_space<vmem>> -> memref<128x32xi32, #tpu.memory_space<vmem>>
      %dma_wait3A_111 = arith.constant 0 : i32
      %dma_wait3A_112 = tpu.memref_slice %arg5[%dma_wait3A, %dma_wait3A_111] : memref<8x128xi32, #tpu.memory_space<vmem>> -> memref<1x128xi32, #tpu.memory_space<vmem>>
      %dma_wait3A_113 = tpu.memref_squeeze %dma_wait3A_112 : memref<1x128xi32, #tpu.memory_space<vmem>> -> memref<128xi32, #tpu.memory_space<vmem>>
      %dma_wait3A_114 = arith.constant 0 : i32
      %dma_wait3A_115 = arith.constant 0 : i32
      %dma_wait3A_116 = tpu.memref_slice %arg3[%dma_wait3A_114, %dma_wait3A_115] : memref<1015808x32xi32, #tpu.memory_space<hbm>> -> memref<1015808x32xi32, #tpu.memory_space<hbm>>
      tpu.wait_indirect_dma semaphore(%arg7 : memref<!tpu.dma_semaphore, #tpu.memory_space<semaphore_mem>>) src(%dma_wait3A_116 : memref<1015808x32xi32, #tpu.memory_space<hbm>>) dst(%dma_wait3A_110 : memref<128x32xi32, #tpu.memory_space<vmem>>)
      %dma_wait3A_117 = arith.constant 1 : i32
      %dma_wait3A_118 = arith.constant 128 : i32
      %dma_wait3A_119 = arith.constant 0 : i32
      %dma_wait3A_120 = tpu.memref_slice %arg6[%dma_wait3A_118, %dma_wait3A_119] : memref<1024x32xi32, #tpu.memory_space<vmem>> -> memref<128x32xi32, #tpu.memory_space<vmem>>
      %dma_wait3A_121 = arith.constant 0 : i32
      %dma_wait3A_122 = tpu.memref_slice %arg5[%dma_wait3A_117, %dma_wait3A_121] : memref<8x128xi32, #tpu.memory_space<vmem>> -> memref<1x128xi32, #tpu.memory_space<vmem>>
      %dma_wait3A_123 = tpu.memref_squeeze %dma_wait3A_122 : memref<1x128xi32, #tpu.memory_space<vmem>> -> memref<128xi32, #tpu.memory_space<vmem>>
      %dma_wait3A_124 = arith.constant 0 : i32
      %dma_wait3A_125 = arith.constant 0 : i32
      %dma_wait3A_126 = tpu.memref_slice %arg3[%dma_wait3A_124, %dma_wait3A_125] : memref<1015808x32xi32, #tpu.memory_space<hbm>> -> memref<1015808x32xi32, #tpu.memory_space<hbm>>
      tpu.wait_indirect_dma semaphore(%arg7 : memref<!tpu.dma_semaphore, #tpu.memory_space<semaphore_mem>>) src(%dma_wait3A_126 : memref<1015808x32xi32, #tpu.memory_space<hbm>>) dst(%dma_wait3A_120 : memref<128x32xi32, #tpu.memory_space<vmem>>)
      %dma_wait3A_127 = arith.constant 2 : i32
      %dma_wait3A_128 = arith.constant 256 : i32
      %dma_wait3A_129 = arith.constant 0 : i32
      %dma_wait3A_130 = tpu.memref_slice %arg6[%dma_wait3A_128, %dma_wait3A_129] : memref<1024x32xi32, #tpu.memory_space<vmem>> -> memref<128x32xi32, #tpu.memory_space<vmem>>
      %dma_wait3A_131 = arith.constant 0 : i32
      %dma_wait3A_132 = tpu.memref_slice %arg5[%dma_wait3A_127, %dma_wait3A_131] : memref<8x128xi32, #tpu.memory_space<vmem>> -> memref<1x128xi32, #tpu.memory_space<vmem>>
      %dma_wait3A_133 = tpu.memref_squeeze %dma_wait3A_132 : memref<1x128xi32, #tpu.memory_space<vmem>> -> memref<128xi32, #tpu.memory_space<vmem>>
      %dma_wait3A_134 = arith.constant 0 : i32
      %dma_wait3A_135 = arith.constant 0 : i32
      %dma_wait3A_136 = tpu.memref_slice %arg3[%dma_wait3A_134, %dma_wait3A_135] : memref<1015808x32xi32, #tpu.memory_space<hbm>> -> memref<1015808x32xi32, #tpu.memory_space<hbm>>
      tpu.wait_indirect_dma semaphore(%arg7 : memref<!tpu.dma_semaphore, #tpu.memory_space<semaphore_mem>>) src(%dma_wait3A_136 : memref<1015808x32xi32, #tpu.memory_space<hbm>>) dst(%dma_wait3A_130 : memref<128x32xi32, #tpu.memory_space<vmem>>)
      %dma_wait3A_137 = arith.constant 3 : i32
      %dma_wait3A_138 = arith.constant 384 : i32
      %dma_wait3A_139 = arith.constant 0 : i32
      %dma_wait3A_140 = tpu.memref_slice %arg6[%dma_wait3A_138, %dma_wait3A_139] : memref<1024x32xi32, #tpu.memory_space<vmem>> -> memref<128x32xi32, #tpu.memory_space<vmem>>
      %dma_wait3A_141 = arith.constant 0 : i32
      %dma_wait3A_142 = tpu.memref_slice %arg5[%dma_wait3A_137, %dma_wait3A_141] : memref<8x128xi32, #tpu.memory_space<vmem>> -> memref<1x128xi32, #tpu.memory_space<vmem>>
      %dma_wait3A_143 = tpu.memref_squeeze %dma_wait3A_142 : memref<1x128xi32, #tpu.memory_space<vmem>> -> memref<128xi32, #tpu.memory_space<vmem>>
      %dma_wait3A_144 = arith.constant 0 : i32
      %dma_wait3A_145 = arith.constant 0 : i32
      %dma_wait3A_146 = tpu.memref_slice %arg3[%dma_wait3A_144, %dma_wait3A_145] : memref<1015808x32xi32, #tpu.memory_space<hbm>> -> memref<1015808x32xi32, #tpu.memory_space<hbm>>
      tpu.wait_indirect_dma semaphore(%arg7 : memref<!tpu.dma_semaphore, #tpu.memory_space<semaphore_mem>>) src(%dma_wait3A_146 : memref<1015808x32xi32, #tpu.memory_space<hbm>>) dst(%dma_wait3A_140 : memref<128x32xi32, #tpu.memory_space<vmem>>)
      %dma_wait3A_147 = arith.constant 4 : i32
      %dma_wait3A_148 = arith.constant 512 : i32
      %dma_wait3A_149 = arith.constant 0 : i32
      %dma_wait3A_150 = tpu.memref_slice %arg6[%dma_wait3A_148, %dma_wait3A_149] : memref<1024x32xi32, #tpu.memory_space<vmem>> -> memref<128x32xi32, #tpu.memory_space<vmem>>
      %dma_wait3A_151 = arith.constant 0 : i32
      %dma_wait3A_152 = tpu.memref_slice %arg5[%dma_wait3A_147, %dma_wait3A_151] : memref<8x128xi32, #tpu.memory_space<vmem>> -> memref<1x128xi32, #tpu.memory_space<vmem>>
      %dma_wait3A_153 = tpu.memref_squeeze %dma_wait3A_152 : memref<1x128xi32, #tpu.memory_space<vmem>> -> memref<128xi32, #tpu.memory_space<vmem>>
      %dma_wait3A_154 = arith.constant 0 : i32
      %dma_wait3A_155 = arith.constant 0 : i32
      %dma_wait3A_156 = tpu.memref_slice %arg3[%dma_wait3A_154, %dma_wait3A_155] : memref<1015808x32xi32, #tpu.memory_space<hbm>> -> memref<1015808x32xi32, #tpu.memory_space<hbm>>
      tpu.wait_indirect_dma semaphore(%arg7 : memref<!tpu.dma_semaphore, #tpu.memory_space<semaphore_mem>>) src(%dma_wait3A_156 : memref<1015808x32xi32, #tpu.memory_space<hbm>>) dst(%dma_wait3A_150 : memref<128x32xi32, #tpu.memory_space<vmem>>)
      %dma_wait3A_157 = arith.constant 5 : i32
      %dma_wait3A_158 = arith.constant 640 : i32
      %dma_wait3A_159 = arith.constant 0 : i32
      %dma_wait3A_160 = tpu.memref_slice %arg6[%dma_wait3A_158, %dma_wait3A_159] : memref<1024x32xi32, #tpu.memory_space<vmem>> -> memref<128x32xi32, #tpu.memory_space<vmem>>
      %dma_wait3A_161 = arith.constant 0 : i32
      %dma_wait3A_162 = tpu.memref_slice %arg5[%dma_wait3A_157, %dma_wait3A_161] : memref<8x128xi32, #tpu.memory_space<vmem>> -> memref<1x128xi32, #tpu.memory_space<vmem>>
      %dma_wait3A_163 = tpu.memref_squeeze %dma_wait3A_162 : memref<1x128xi32, #tpu.memory_space<vmem>> -> memref<128xi32, #tpu.memory_space<vmem>>
      %dma_wait3A_164 = arith.constant 0 : i32
      %dma_wait3A_165 = arith.constant 0 : i32
      %dma_wait3A_166 = tpu.memref_slice %arg3[%dma_wait3A_164, %dma_wait3A_165] : memref<1015808x32xi32, #tpu.memory_space<hbm>> -> memref<1015808x32xi32, #tpu.memory_space<hbm>>
      tpu.wait_indirect_dma semaphore(%arg7 : memref<!tpu.dma_semaphore, #tpu.memory_space<semaphore_mem>>) src(%dma_wait3A_166 : memref<1015808x32xi32, #tpu.memory_space<hbm>>) dst(%dma_wait3A_160 : memref<128x32xi32, #tpu.memory_space<vmem>>)
      %dma_wait3A_167 = arith.constant 6 : i32
      %dma_wait3A_168 = arith.constant 768 : i32
      %dma_wait3A_169 = arith.constant 0 : i32
      %dma_wait3A_170 = tpu.memref_slice %arg6[%dma_wait3A_168, %dma_wait3A_169] : memref<1024x32xi32, #tpu.memory_space<vmem>> -> memref<128x32xi32, #tpu.memory_space<vmem>>
      %dma_wait3A_171 = arith.constant 0 : i32
      %dma_wait3A_172 = tpu.memref_slice %arg5[%dma_wait3A_167, %dma_wait3A_171] : memref<8x128xi32, #tpu.memory_space<vmem>> -> memref<1x128xi32, #tpu.memory_space<vmem>>
      %dma_wait3A_173 = tpu.memref_squeeze %dma_wait3A_172 : memref<1x128xi32, #tpu.memory_space<vmem>> -> memref<128xi32, #tpu.memory_space<vmem>>
      %dma_wait3A_174 = arith.constant 0 : i32
      %dma_wait3A_175 = arith.constant 0 : i32
      %dma_wait3A_176 = tpu.memref_slice %arg3[%dma_wait3A_174, %dma_wait3A_175] : memref<1015808x32xi32, #tpu.memory_space<hbm>> -> memref<1015808x32xi32, #tpu.memory_space<hbm>>
      tpu.wait_indirect_dma semaphore(%arg7 : memref<!tpu.dma_semaphore, #tpu.memory_space<semaphore_mem>>) src(%dma_wait3A_176 : memref<1015808x32xi32, #tpu.memory_space<hbm>>) dst(%dma_wait3A_170 : memref<128x32xi32, #tpu.memory_space<vmem>>)
      %dma_wait3A_177 = arith.constant 7 : i32
      %dma_wait3A_178 = arith.constant 896 : i32
      %dma_wait3A_179 = arith.constant 0 : i32
      %dma_wait3A_180 = tpu.memref_slice %arg6[%dma_wait3A_178, %dma_wait3A_179] : memref<1024x32xi32, #tpu.memory_space<vmem>> -> memref<128x32xi32, #tpu.memory_space<vmem>>
      %dma_wait3A_181 = arith.constant 0 : i32
      %dma_wait3A_182 = tpu.memref_slice %arg5[%dma_wait3A_177, %dma_wait3A_181] : memref<8x128xi32, #tpu.memory_space<vmem>> -> memref<1x128xi32, #tpu.memory_space<vmem>>
      %dma_wait3A_183 = tpu.memref_squeeze %dma_wait3A_182 : memref<1x128xi32, #tpu.memory_space<vmem>> -> memref<128xi32, #tpu.memory_space<vmem>>
      %dma_wait3A_184 = arith.constant 0 : i32
      %dma_wait3A_185 = arith.constant 0 : i32
      %dma_wait3A_186 = tpu.memref_slice %arg3[%dma_wait3A_184, %dma_wait3A_185] : memref<1015808x32xi32, #tpu.memory_space<hbm>> -> memref<1015808x32xi32, #tpu.memory_space<hbm>>
      tpu.wait_indirect_dma semaphore(%arg7 : memref<!tpu.dma_semaphore, #tpu.memory_space<semaphore_mem>>) src(%dma_wait3A_186 : memref<1015808x32xi32, #tpu.memory_space<hbm>>) dst(%dma_wait3A_180 : memref<128x32xi32, #tpu.memory_space<vmem>>)
      %shift_right_arithmetic3A = arith.constant 12 : i32
      %shift_right_arithmetic3A_187 = arith.shrsi %multiple_of3A, %shift_right_arithmetic3A : i32
      %mul3A_188 = arith.constant 1024 : i32
      %mul3A_189 = arith.muli %shift_right_arithmetic3A_187, %mul3A_188 : i32
      %multiple_of3A_190 = tpu.assume_multiple %mul3A_189, 1024 : i32
      %shift_right_arithmetic3A_191 = arith.constant 10 : i32
      %shift_right_arithmetic3A_192 = arith.shrsi %multiple_of3A, %shift_right_arithmetic3A_191 : i32
      %and3A_193 = arith.constant 3 : i32
      %and3A_194 = arith.andi %shift_right_arithmetic3A_192, %and3A_193 : i32
      %mul3A_195 = arith.constant 32 : i32
      %mul3A_196 = arith.muli %and3A_194, %mul3A_195 : i32
      %multiple_of3A_197 = tpu.assume_multiple %mul3A_196, 32 : i32
      "tpu.region"() ({
        %run_scoped3A = tpu.sem_alloc : memref<!tpu.dma_semaphore, #tpu.memory_space<semaphore_mem>>
        %dma_start3A_198 = tpu.memref_slice %arg4[%multiple_of3A_190, %multiple_of3A_197] : memref<204800x128xi32, #tpu.memory_space<hbm>> -> memref<1024x32xi32, #tpu.memory_space<hbm>>
        %dma_start3A_199 = tpu.memref_slice %arg4[%multiple_of3A_190, %multiple_of3A_197] : memref<204800x128xi32, #tpu.memory_space<hbm>> -> memref<1024x32xi32, #tpu.memory_space<hbm>>
        tpu.enqueue_dma source(%arg6 : memref<1024x32xi32, #tpu.memory_space<vmem>>) target(%dma_start3A_199 : memref<1024x32xi32, #tpu.memory_space<hbm>>) target_semaphore(%run_scoped3A : memref<!tpu.dma_semaphore, #tpu.memory_space<semaphore_mem>>)
        %dma_wait3A_200 = tpu.memref_slice %arg4[%multiple_of3A_190, %multiple_of3A_197] : memref<204800x128xi32, #tpu.memory_space<hbm>> -> memref<1024x32xi32, #tpu.memory_space<hbm>>
        %dma_wait3A_201 = tpu.memref_slice %arg4[%multiple_of3A_190, %multiple_of3A_197] : memref<204800x128xi32, #tpu.memory_space<hbm>> -> memref<1024x32xi32, #tpu.memory_space<hbm>>
        tpu.wait_dma2 semaphore(%run_scoped3A : memref<!tpu.dma_semaphore, #tpu.memory_space<semaphore_mem>>) src(%arg6 : memref<1024x32xi32, #tpu.memory_space<vmem>>) dst(%dma_wait3A_201 : memref<1024x32xi32, #tpu.memory_space<hbm>>)
        tpu.yield
      }) : () -> ()
    }
    %scan3A_7 = arith.constant 25 : i32
    return
  }
}

module attributes {stable_mosaic.version = 14 : i64} {
  func.func @_tpack_body(%arg0: i32, %arg1: memref<64x4096xf32, #tpu.memory_space<vmem>>, %arg2: memref<64x4096xf32, #tpu.memory_space<vmem>>, %arg3: memref<64x4096xf32, #tpu.memory_space<vmem>>, %arg4: memref<64x4096xf32, #tpu.memory_space<vmem>>, %arg5: memref<4096x128xi32, #tpu.memory_space<vmem>>) attributes {dimension_semantics = [#tpu.dimension_semantics<arbitrary>], iteration_bounds = array<i64: 62>, scalar_prefetch = 0 : i64, scratch_operands = 0 : i64, tpu.core_type = #tpu.core_type<tc>, window_params = [{transform_indices = @transform_0, window_bounds = array<i64: 64, 4096>}, {transform_indices = @transform_1, window_bounds = array<i64: 64, 4096>}, {transform_indices = @transform_2, window_bounds = array<i64: 64, 4096>}, {transform_indices = @transform_3, window_bounds = array<i64: 64, 4096>}, {transform_indices = @transform_4, window_bounds = array<i64: 4096, 128>}]} {
    %get3A = arith.constant 0 : index
    %get3A_0 = arith.constant 0 : index
    %get3A_1 = vector.load %arg1[%get3A, %get3A_0] : memref<64x4096xf32, #tpu.memory_space<vmem>>, vector<64x4096xf32>
    %bitcast_convert_type3A = tpu.bitcast %get3A_1 : vector<64x4096xf32> -> vector<64x4096xi32>
    %slice3A = vector.extract_strided_slice %bitcast_convert_type3A {offsets = [0, 0], sizes = [32, 4096], strides = [1, 1]} : vector<64x4096xi32> to vector<32x4096xi32>
    %add3A = arith.constant 32767 : i32
    %add3A_2 = vector.broadcast %add3A : i32 to vector<32x4096xi32>
    %add3A_3 = arith.addi %slice3A, %add3A_2 : vector<32x4096xi32>
    %shift_right_logical3A = arith.constant 16 : i32
    %shift_right_logical3A_4 = vector.broadcast %shift_right_logical3A : i32 to vector<32x4096xi32>
    %shift_right_logical3A_5 = arith.shrui %slice3A, %shift_right_logical3A_4 : vector<32x4096xi32>
    %and3A = arith.constant 1 : i32
    %and3A_6 = vector.broadcast %and3A : i32 to vector<32x4096xi32>
    %and3A_7 = arith.andi %shift_right_logical3A_5, %and3A_6 : vector<32x4096xi32>
    %add3A_8 = arith.addi %add3A_3, %and3A_7 : vector<32x4096xi32>
    %slice3A_9 = vector.extract_strided_slice %bitcast_convert_type3A {offsets = [32, 0], sizes = [32, 4096], strides = [1, 1]} : vector<64x4096xi32> to vector<32x4096xi32>
    %add3A_10 = arith.constant 32767 : i32
    %add3A_11 = vector.broadcast %add3A_10 : i32 to vector<32x4096xi32>
    %add3A_12 = arith.addi %slice3A_9, %add3A_11 : vector<32x4096xi32>
    %shift_right_logical3A_13 = arith.constant 16 : i32
    %shift_right_logical3A_14 = vector.broadcast %shift_right_logical3A_13 : i32 to vector<32x4096xi32>
    %shift_right_logical3A_15 = arith.shrui %slice3A_9, %shift_right_logical3A_14 : vector<32x4096xi32>
    %and3A_16 = arith.constant 1 : i32
    %and3A_17 = vector.broadcast %and3A_16 : i32 to vector<32x4096xi32>
    %and3A_18 = arith.andi %shift_right_logical3A_15, %and3A_17 : vector<32x4096xi32>
    %add3A_19 = arith.addi %add3A_12, %and3A_18 : vector<32x4096xi32>
    %shift_right_logical3A_20 = arith.constant 16 : i32
    %shift_right_logical3A_21 = vector.broadcast %shift_right_logical3A_20 : i32 to vector<32x4096xi32>
    %shift_right_logical3A_22 = arith.shrui %add3A_8, %shift_right_logical3A_21 : vector<32x4096xi32>
    %and3A_23 = arith.constant -65536 : i32
    %and3A_24 = vector.broadcast %and3A_23 : i32 to vector<32x4096xi32>
    %and3A_25 = arith.andi %add3A_19, %and3A_24 : vector<32x4096xi32>
    %or3A = arith.ori %shift_right_logical3A_22, %and3A_25 : vector<32x4096xi32>
    %bitcast_convert_type3A_26 = tpu.bitcast %or3A : vector<32x4096xi32> -> vector<32x4096xi32>
    %get3A_27 = arith.constant 0 : index
    %get3A_28 = arith.constant 0 : index
    %get3A_29 = vector.load %arg2[%get3A_27, %get3A_28] : memref<64x4096xf32, #tpu.memory_space<vmem>>, vector<64x4096xf32>
    %bitcast_convert_type3A_30 = tpu.bitcast %get3A_29 : vector<64x4096xf32> -> vector<64x4096xi32>
    %slice3A_31 = vector.extract_strided_slice %bitcast_convert_type3A_30 {offsets = [0, 0], sizes = [32, 4096], strides = [1, 1]} : vector<64x4096xi32> to vector<32x4096xi32>
    %add3A_32 = arith.constant 32767 : i32
    %add3A_33 = vector.broadcast %add3A_32 : i32 to vector<32x4096xi32>
    %add3A_34 = arith.addi %slice3A_31, %add3A_33 : vector<32x4096xi32>
    %shift_right_logical3A_35 = arith.constant 16 : i32
    %shift_right_logical3A_36 = vector.broadcast %shift_right_logical3A_35 : i32 to vector<32x4096xi32>
    %shift_right_logical3A_37 = arith.shrui %slice3A_31, %shift_right_logical3A_36 : vector<32x4096xi32>
    %and3A_38 = arith.constant 1 : i32
    %and3A_39 = vector.broadcast %and3A_38 : i32 to vector<32x4096xi32>
    %and3A_40 = arith.andi %shift_right_logical3A_37, %and3A_39 : vector<32x4096xi32>
    %add3A_41 = arith.addi %add3A_34, %and3A_40 : vector<32x4096xi32>
    %slice3A_42 = vector.extract_strided_slice %bitcast_convert_type3A_30 {offsets = [32, 0], sizes = [32, 4096], strides = [1, 1]} : vector<64x4096xi32> to vector<32x4096xi32>
    %add3A_43 = arith.constant 32767 : i32
    %add3A_44 = vector.broadcast %add3A_43 : i32 to vector<32x4096xi32>
    %add3A_45 = arith.addi %slice3A_42, %add3A_44 : vector<32x4096xi32>
    %shift_right_logical3A_46 = arith.constant 16 : i32
    %shift_right_logical3A_47 = vector.broadcast %shift_right_logical3A_46 : i32 to vector<32x4096xi32>
    %shift_right_logical3A_48 = arith.shrui %slice3A_42, %shift_right_logical3A_47 : vector<32x4096xi32>
    %and3A_49 = arith.constant 1 : i32
    %and3A_50 = vector.broadcast %and3A_49 : i32 to vector<32x4096xi32>
    %and3A_51 = arith.andi %shift_right_logical3A_48, %and3A_50 : vector<32x4096xi32>
    %add3A_52 = arith.addi %add3A_45, %and3A_51 : vector<32x4096xi32>
    %shift_right_logical3A_53 = arith.constant 16 : i32
    %shift_right_logical3A_54 = vector.broadcast %shift_right_logical3A_53 : i32 to vector<32x4096xi32>
    %shift_right_logical3A_55 = arith.shrui %add3A_41, %shift_right_logical3A_54 : vector<32x4096xi32>
    %and3A_56 = arith.constant -65536 : i32
    %and3A_57 = vector.broadcast %and3A_56 : i32 to vector<32x4096xi32>
    %and3A_58 = arith.andi %add3A_52, %and3A_57 : vector<32x4096xi32>
    %or3A_59 = arith.ori %shift_right_logical3A_55, %and3A_58 : vector<32x4096xi32>
    %bitcast_convert_type3A_60 = tpu.bitcast %or3A_59 : vector<32x4096xi32> -> vector<32x4096xi32>
    %get3A_61 = arith.constant 0 : index
    %get3A_62 = arith.constant 0 : index
    %get3A_63 = vector.load %arg3[%get3A_61, %get3A_62] : memref<64x4096xf32, #tpu.memory_space<vmem>>, vector<64x4096xf32>
    %bitcast_convert_type3A_64 = tpu.bitcast %get3A_63 : vector<64x4096xf32> -> vector<64x4096xi32>
    %slice3A_65 = vector.extract_strided_slice %bitcast_convert_type3A_64 {offsets = [0, 0], sizes = [32, 4096], strides = [1, 1]} : vector<64x4096xi32> to vector<32x4096xi32>
    %add3A_66 = arith.constant 32767 : i32
    %add3A_67 = vector.broadcast %add3A_66 : i32 to vector<32x4096xi32>
    %add3A_68 = arith.addi %slice3A_65, %add3A_67 : vector<32x4096xi32>
    %shift_right_logical3A_69 = arith.constant 16 : i32
    %shift_right_logical3A_70 = vector.broadcast %shift_right_logical3A_69 : i32 to vector<32x4096xi32>
    %shift_right_logical3A_71 = arith.shrui %slice3A_65, %shift_right_logical3A_70 : vector<32x4096xi32>
    %and3A_72 = arith.constant 1 : i32
    %and3A_73 = vector.broadcast %and3A_72 : i32 to vector<32x4096xi32>
    %and3A_74 = arith.andi %shift_right_logical3A_71, %and3A_73 : vector<32x4096xi32>
    %add3A_75 = arith.addi %add3A_68, %and3A_74 : vector<32x4096xi32>
    %slice3A_76 = vector.extract_strided_slice %bitcast_convert_type3A_64 {offsets = [32, 0], sizes = [32, 4096], strides = [1, 1]} : vector<64x4096xi32> to vector<32x4096xi32>
    %add3A_77 = arith.constant 32767 : i32
    %add3A_78 = vector.broadcast %add3A_77 : i32 to vector<32x4096xi32>
    %add3A_79 = arith.addi %slice3A_76, %add3A_78 : vector<32x4096xi32>
    %shift_right_logical3A_80 = arith.constant 16 : i32
    %shift_right_logical3A_81 = vector.broadcast %shift_right_logical3A_80 : i32 to vector<32x4096xi32>
    %shift_right_logical3A_82 = arith.shrui %slice3A_76, %shift_right_logical3A_81 : vector<32x4096xi32>
    %and3A_83 = arith.constant 1 : i32
    %and3A_84 = vector.broadcast %and3A_83 : i32 to vector<32x4096xi32>
    %and3A_85 = arith.andi %shift_right_logical3A_82, %and3A_84 : vector<32x4096xi32>
    %add3A_86 = arith.addi %add3A_79, %and3A_85 : vector<32x4096xi32>
    %shift_right_logical3A_87 = arith.constant 16 : i32
    %shift_right_logical3A_88 = vector.broadcast %shift_right_logical3A_87 : i32 to vector<32x4096xi32>
    %shift_right_logical3A_89 = arith.shrui %add3A_75, %shift_right_logical3A_88 : vector<32x4096xi32>
    %and3A_90 = arith.constant -65536 : i32
    %and3A_91 = vector.broadcast %and3A_90 : i32 to vector<32x4096xi32>
    %and3A_92 = arith.andi %add3A_86, %and3A_91 : vector<32x4096xi32>
    %or3A_93 = arith.ori %shift_right_logical3A_89, %and3A_92 : vector<32x4096xi32>
    %bitcast_convert_type3A_94 = tpu.bitcast %or3A_93 : vector<32x4096xi32> -> vector<32x4096xi32>
    %get3A_95 = arith.constant 0 : index
    %get3A_96 = arith.constant 0 : index
    %get3A_97 = vector.load %arg4[%get3A_95, %get3A_96] : memref<64x4096xf32, #tpu.memory_space<vmem>>, vector<64x4096xf32>
    %bitcast_convert_type3A_98 = tpu.bitcast %get3A_97 : vector<64x4096xf32> -> vector<64x4096xi32>
    %slice3A_99 = vector.extract_strided_slice %bitcast_convert_type3A_98 {offsets = [0, 0], sizes = [32, 4096], strides = [1, 1]} : vector<64x4096xi32> to vector<32x4096xi32>
    %add3A_100 = arith.constant 32767 : i32
    %add3A_101 = vector.broadcast %add3A_100 : i32 to vector<32x4096xi32>
    %add3A_102 = arith.addi %slice3A_99, %add3A_101 : vector<32x4096xi32>
    %shift_right_logical3A_103 = arith.constant 16 : i32
    %shift_right_logical3A_104 = vector.broadcast %shift_right_logical3A_103 : i32 to vector<32x4096xi32>
    %shift_right_logical3A_105 = arith.shrui %slice3A_99, %shift_right_logical3A_104 : vector<32x4096xi32>
    %and3A_106 = arith.constant 1 : i32
    %and3A_107 = vector.broadcast %and3A_106 : i32 to vector<32x4096xi32>
    %and3A_108 = arith.andi %shift_right_logical3A_105, %and3A_107 : vector<32x4096xi32>
    %add3A_109 = arith.addi %add3A_102, %and3A_108 : vector<32x4096xi32>
    %slice3A_110 = vector.extract_strided_slice %bitcast_convert_type3A_98 {offsets = [32, 0], sizes = [32, 4096], strides = [1, 1]} : vector<64x4096xi32> to vector<32x4096xi32>
    %add3A_111 = arith.constant 32767 : i32
    %add3A_112 = vector.broadcast %add3A_111 : i32 to vector<32x4096xi32>
    %add3A_113 = arith.addi %slice3A_110, %add3A_112 : vector<32x4096xi32>
    %shift_right_logical3A_114 = arith.constant 16 : i32
    %shift_right_logical3A_115 = vector.broadcast %shift_right_logical3A_114 : i32 to vector<32x4096xi32>
    %shift_right_logical3A_116 = arith.shrui %slice3A_110, %shift_right_logical3A_115 : vector<32x4096xi32>
    %and3A_117 = arith.constant 1 : i32
    %and3A_118 = vector.broadcast %and3A_117 : i32 to vector<32x4096xi32>
    %and3A_119 = arith.andi %shift_right_logical3A_116, %and3A_118 : vector<32x4096xi32>
    %add3A_120 = arith.addi %add3A_113, %and3A_119 : vector<32x4096xi32>
    %shift_right_logical3A_121 = arith.constant 16 : i32
    %shift_right_logical3A_122 = vector.broadcast %shift_right_logical3A_121 : i32 to vector<32x4096xi32>
    %shift_right_logical3A_123 = arith.shrui %add3A_109, %shift_right_logical3A_122 : vector<32x4096xi32>
    %and3A_124 = arith.constant -65536 : i32
    %and3A_125 = vector.broadcast %and3A_124 : i32 to vector<32x4096xi32>
    %and3A_126 = arith.andi %add3A_120, %and3A_125 : vector<32x4096xi32>
    %or3A_127 = arith.ori %shift_right_logical3A_123, %and3A_126 : vector<32x4096xi32>
    %bitcast_convert_type3A_128 = tpu.bitcast %or3A_127 : vector<32x4096xi32> -> vector<32x4096xi32>
    %concatenate3A = tpu.concatenate %bitcast_convert_type3A_26, %bitcast_convert_type3A_60, %bitcast_convert_type3A_94, %bitcast_convert_type3A_128 in 0 : vector<32x4096xi32>, vector<32x4096xi32>, vector<32x4096xi32>, vector<32x4096xi32> -> vector<128x4096xi32>
    %transpose3A = tpu.transpose %concatenate3A, [1, 0] : vector<128x4096xi32> -> vector<4096x128xi32>
    %swap3A = arith.constant 0 : index
    %swap3A_129 = arith.constant 0 : index
    %swap3A_130 = vector.load %arg5[%swap3A, %swap3A_129] : memref<4096x128xi32, #tpu.memory_space<vmem>>, vector<4096x128xi32>
    tpu.vector_store %arg5[%swap3A, %swap3A_129], %transpose3A {strides = array<i32>} : memref<4096x128xi32, #tpu.memory_space<vmem>>, vector<4096x128xi32>,
    return
  }
  func.func @transform_0(%arg0: i32) -> (i32, i32) {
    %add3A = arith.constant 0 : i32
    %add3A_0 = arith.addi %add3A, %arg0 : i32
    %min3A = arith.constant 244 : i32
    %min3A_1 = arith.minsi %add3A_0, %min3A : i32
    %c0_i32 = arith.constant 0 : i32
    %c0_i32_2 = arith.constant 0 : i32
    return %c0_i32, %min3A_1 : i32, i32
  }
  func.func @transform_1(%arg0: i32) -> (i32, i32) {
    %add3A = arith.constant 62 : i32
    %add3A_0 = arith.addi %add3A, %arg0 : i32
    %min3A = arith.constant 244 : i32
    %min3A_1 = arith.minsi %add3A_0, %min3A : i32
    %c0_i32 = arith.constant 0 : i32
    %c0_i32_2 = arith.constant 0 : i32
    return %c0_i32, %min3A_1 : i32, i32
  }
  func.func @transform_2(%arg0: i32) -> (i32, i32) {
    %add3A = arith.constant 124 : i32
    %add3A_0 = arith.addi %add3A, %arg0 : i32
    %min3A = arith.constant 244 : i32
    %min3A_1 = arith.minsi %add3A_0, %min3A : i32
    %c0_i32 = arith.constant 0 : i32
    %c0_i32_2 = arith.constant 0 : i32
    return %c0_i32, %min3A_1 : i32, i32
  }
  func.func @transform_3(%arg0: i32) -> (i32, i32) {
    %add3A = arith.constant 186 : i32
    %add3A_0 = arith.addi %add3A, %arg0 : i32
    %min3A = arith.constant 244 : i32
    %min3A_1 = arith.minsi %add3A_0, %min3A : i32
    %c0_i32 = arith.constant 0 : i32
    %c0_i32_2 = arith.constant 0 : i32
    return %c0_i32, %min3A_1 : i32, i32
  }
  func.func @transform_4(%arg0: i32) -> (i32, i32) {
    %c0_i32 = arith.constant 0 : i32
    %c0_i32_0 = arith.constant 0 : i32
    return %arg0, %c0_i32 : i32, i32
  }
}

module attributes {stable_mosaic.version = 14 : i64} {
  func.func @_ln_body(%arg0: i32, %arg1: memref<8192x128xi32, #tpu.memory_space<vmem>>, %arg2: memref<8x1x4096xi32, #tpu.memory_space<vmem>>, %arg3: memref<8x64x1xf32, #tpu.memory_space<vmem>>, %arg4: memref<64x4xf32, #tpu.memory_space<vmem>>, %arg5: memref<8x64x4096xf32, #tpu.memory_space<vmem>>) attributes {dimension_semantics = [#tpu.dimension_semantics<arbitrary>], iteration_bounds = array<i64: 25>, scalar_prefetch = 0 : i64, scratch_operands = 0 : i64, tpu.core_type = #tpu.core_type<tc>, window_params = [{transform_indices = @transform_0, window_bounds = array<i64: 8192, 128>}, {transform_indices = @transform_1, window_bounds = array<i64: 8, 1, 4096>}, {transform_indices = @transform_2, window_bounds = array<i64: 8, 64, 1>}, {pipeline_mode = #tpu.pipeline_mode<synchronous>, transform_indices = @transform_3, window_bounds = array<i64: 64, 4>}, {transform_indices = @transform_4, window_bounds = array<i64: 8, 64, 4096>}]} {
    %get3A = arith.constant 0 : index
    %get3A_0 = arith.constant 0 : index
    %get3A_1 = vector.load %arg1[%get3A, %get3A_0] : memref<8192x128xi32, #tpu.memory_space<vmem>>, vector<8192x128xi32>
    %bitcast_convert_type3A = tpu.bitcast %get3A_1 : vector<8192x128xi32> -> vector<8192x128xi32>
    %get3A_2 = arith.constant 0 : index
    %get3A_3 = arith.constant 0 : index
    %get3A_4 = vector.load %arg4[%get3A_2, %get3A_3] : memref<64x4xf32, #tpu.memory_space<vmem>>, vector<64x1xf32>
    %get3A_5 = arith.constant 0 : index
    %get3A_6 = arith.constant 1 : index
    %get3A_7 = vector.load %arg4[%get3A_5, %get3A_6] : memref<64x4xf32, #tpu.memory_space<vmem>>, vector<64x1xf32>
    %get3A_8 = arith.constant 0 : index
    %get3A_9 = arith.constant 2 : index
    %get3A_10 = vector.load %arg4[%get3A_8, %get3A_9] : memref<64x4xf32, #tpu.memory_space<vmem>>, vector<64x1xf32>
    %get3A_11 = arith.constant 0 : index
    %get3A_12 = arith.constant 3 : index
    %get3A_13 = vector.load %arg4[%get3A_11, %get3A_12] : memref<64x4xf32, #tpu.memory_space<vmem>>, vector<64x1xf32>
    %slice3A = vector.extract_strided_slice %bitcast_convert_type3A {offsets = [0, 0], sizes = [1024, 128], strides = [1, 1]} : vector<8192x128xi32> to vector<1024x128xi32>
    %transpose3A = tpu.transpose %slice3A, [1, 0] : vector<1024x128xi32> -> vector<128x1024xi32>
    %slice3A_14 = vector.extract_strided_slice %transpose3A {offsets = [0, 0], sizes = [32, 1024], strides = [1, 1]} : vector<128x1024xi32> to vector<32x1024xi32>
    %shift_left3A = arith.constant 16 : i32
    %shift_left3A_15 = vector.broadcast %shift_left3A : i32 to vector<32x1024xi32>
    %shift_left3A_16 = arith.shli %slice3A_14, %shift_left3A_15 : vector<32x1024xi32>
    %bitcast_convert_type3A_17 = tpu.bitcast %shift_left3A_16 : vector<32x1024xi32> -> vector<32x1024xf32>
    %and3A = arith.constant -65536 : i32
    %and3A_18 = vector.broadcast %and3A : i32 to vector<32x1024xi32>
    %and3A_19 = arith.andi %slice3A_14, %and3A_18 : vector<32x1024xi32>
    %bitcast_convert_type3A_20 = tpu.bitcast %and3A_19 : vector<32x1024xi32> -> vector<32x1024xf32>
    %concatenate3A = tpu.concatenate %bitcast_convert_type3A_17, %bitcast_convert_type3A_20 in 0 : vector<32x1024xf32>, vector<32x1024xf32> -> vector<64x1024xf32>
    %slice3A_21 = vector.extract_strided_slice %transpose3A {offsets = [32, 0], sizes = [32, 1024], strides = [1, 1]} : vector<128x1024xi32> to vector<32x1024xi32>
    %shift_left3A_22 = arith.constant 16 : i32
    %shift_left3A_23 = vector.broadcast %shift_left3A_22 : i32 to vector<32x1024xi32>
    %shift_left3A_24 = arith.shli %slice3A_21, %shift_left3A_23 : vector<32x1024xi32>
    %bitcast_convert_type3A_25 = tpu.bitcast %shift_left3A_24 : vector<32x1024xi32> -> vector<32x1024xf32>
    %and3A_26 = arith.constant -65536 : i32
    %and3A_27 = vector.broadcast %and3A_26 : i32 to vector<32x1024xi32>
    %and3A_28 = arith.andi %slice3A_21, %and3A_27 : vector<32x1024xi32>
    %bitcast_convert_type3A_29 = tpu.bitcast %and3A_28 : vector<32x1024xi32> -> vector<32x1024xf32>
    %concatenate3A_30 = tpu.concatenate %bitcast_convert_type3A_25, %bitcast_convert_type3A_29 in 0 : vector<32x1024xf32>, vector<32x1024xf32> -> vector<64x1024xf32>
    %slice3A_31 = vector.extract_strided_slice %transpose3A {offsets = [64, 0], sizes = [32, 1024], strides = [1, 1]} : vector<128x1024xi32> to vector<32x1024xi32>
    %shift_left3A_32 = arith.constant 16 : i32
    %shift_left3A_33 = vector.broadcast %shift_left3A_32 : i32 to vector<32x1024xi32>
    %shift_left3A_34 = arith.shli %slice3A_31, %shift_left3A_33 : vector<32x1024xi32>
    %bitcast_convert_type3A_35 = tpu.bitcast %shift_left3A_34 : vector<32x1024xi32> -> vector<32x1024xf32>
    %and3A_36 = arith.constant -65536 : i32
    %and3A_37 = vector.broadcast %and3A_36 : i32 to vector<32x1024xi32>
    %and3A_38 = arith.andi %slice3A_31, %and3A_37 : vector<32x1024xi32>
    %bitcast_convert_type3A_39 = tpu.bitcast %and3A_38 : vector<32x1024xi32> -> vector<32x1024xf32>
    %concatenate3A_40 = tpu.concatenate %bitcast_convert_type3A_35, %bitcast_convert_type3A_39 in 0 : vector<32x1024xf32>, vector<32x1024xf32> -> vector<64x1024xf32>
    %slice3A_41 = vector.extract_strided_slice %transpose3A {offsets = [96, 0], sizes = [32, 1024], strides = [1, 1]} : vector<128x1024xi32> to vector<32x1024xi32>
    %shift_left3A_42 = arith.constant 16 : i32
    %shift_left3A_43 = vector.broadcast %shift_left3A_42 : i32 to vector<32x1024xi32>
    %shift_left3A_44 = arith.shli %slice3A_41, %shift_left3A_43 : vector<32x1024xi32>
    %bitcast_convert_type3A_45 = tpu.bitcast %shift_left3A_44 : vector<32x1024xi32> -> vector<32x1024xf32>
    %and3A_46 = arith.constant -65536 : i32
    %and3A_47 = vector.broadcast %and3A_46 : i32 to vector<32x1024xi32>
    %and3A_48 = arith.andi %slice3A_41, %and3A_47 : vector<32x1024xi32>
    %bitcast_convert_type3A_49 = tpu.bitcast %and3A_48 : vector<32x1024xi32> -> vector<32x1024xf32>
    %concatenate3A_50 = tpu.concatenate %bitcast_convert_type3A_45, %bitcast_convert_type3A_49 in 0 : vector<32x1024xf32>, vector<32x1024xf32> -> vector<64x1024xf32>
    %concatenate3A_51 = tpu.concatenate %concatenate3A, %concatenate3A_30, %concatenate3A_40, %concatenate3A_50 in 1 : vector<64x1024xf32>, vector<64x1024xf32>, vector<64x1024xf32>, vector<64x1024xf32> -> vector<64x4096xf32>
    %get3A_52 = arith.constant 0 : index
    %get3A_53 = arith.constant 0 : index
    %get3A_54 = arith.constant 0 : index
    %get3A_55 = vector.load %arg2[%get3A_52, %get3A_53, %get3A_54] : memref<8x1x4096xi32, #tpu.memory_space<vmem>>, vector<1x1x4096xi32>
    %get3A_56 = vector.shape_cast %get3A_55 : vector<1x1x4096xi32> to vector<1x4096xi32>
    %convert_element_type3A = arith.sitofp %get3A_56 : vector<1x4096xi32> to vector<1x4096xf32>
    %get3A_57 = arith.constant 0 : index
    %get3A_58 = arith.constant 0 : index
    %get3A_59 = arith.constant 0 : index
    %get3A_60 = vector.load %arg3[%get3A_57, %get3A_58, %get3A_59] : memref<8x64x1xf32, #tpu.memory_space<vmem>>, vector<1x64x1xf32>
    %get3A_61 = vector.shape_cast %get3A_60 : vector<1x64x1xf32> to vector<64x1xf32>
    %add3A = vector.broadcast %get3A_61 : vector<64x1xf32> to vector<64x4096xf32>
    %add3A_62 = arith.addf %concatenate3A_51, %add3A : vector<64x4096xf32>
    %add3A_63 = vector.broadcast %get3A_10 : vector<64x1xf32> to vector<64x4096xf32>
    %add3A_64 = arith.addf %add3A_62, %add3A_63 : vector<64x4096xf32>
    %sub3A = arith.subf %get3A_13, %get3A_10 : vector<64x1xf32>
    %mul3A = vector.broadcast %convert_element_type3A : vector<1x4096xf32> to vector<64x4096xf32>
    %mul3A_65 = vector.broadcast %sub3A : vector<64x1xf32> to vector<64x4096xf32>
    %mul3A_66 = arith.mulf %mul3A, %mul3A_65 : vector<64x4096xf32>
    %add3A_67 = arith.addf %add3A_64, %mul3A_66 : vector<64x4096xf32>
    %reduce_sum3A = arith.constant dense<0.000000e+00> : vector<4096xf32>
    %reduce_sum3A_68 = vector.multi_reduction <add>, %add3A_67, %reduce_sum3A [0] : vector<64x4096xf32> to vector<4096xf32>
    %broadcast_in_dim3A = vector.shape_cast %reduce_sum3A_68 : vector<4096xf32> to vector<1x4096xf32>
    %div3A = arith.constant 6.400000e+01 : f32
    %div3A_69 = vector.broadcast %div3A : f32 to vector<1x4096xf32>
    %div3A_70 = arith.divf %broadcast_in_dim3A, %div3A_69 : vector<1x4096xf32>
    %mul3A_71 = arith.mulf %add3A_67, %add3A_67 : vector<64x4096xf32>
    %reduce_sum3A_72 = arith.constant dense<0.000000e+00> : vector<4096xf32>
    %reduce_sum3A_73 = vector.multi_reduction <add>, %mul3A_71, %reduce_sum3A_72 [0] : vector<64x4096xf32> to vector<4096xf32>
    %broadcast_in_dim3A_74 = vector.shape_cast %reduce_sum3A_73 : vector<4096xf32> to vector<1x4096xf32>
    %div3A_75 = arith.constant 6.400000e+01 : f32
    %div3A_76 = vector.broadcast %div3A_75 : f32 to vector<1x4096xf32>
    %div3A_77 = arith.divf %broadcast_in_dim3A_74, %div3A_76 : vector<1x4096xf32>
    %mul3A_78 = arith.mulf %div3A_70, %div3A_70 : vector<1x4096xf32>
    %sub3A_79 = arith.subf %div3A_77, %mul3A_78 : vector<1x4096xf32>
    %sub3A_80 = vector.broadcast %div3A_70 : vector<1x4096xf32> to vector<64x4096xf32>
    %sub3A_81 = arith.subf %add3A_67, %sub3A_80 : vector<64x4096xf32>
    %add3A_82 = arith.constant 9.99999997E-7 : f32
    %add3A_83 = vector.broadcast %add3A_82 : f32 to vector<1x4096xf32>
    %add3A_84 = arith.addf %sub3A_79, %add3A_83 : vector<1x4096xf32>
    %rsqrt3A = math.rsqrt %add3A_84 : vector<1x4096xf32>
    %mul3A_85 = vector.broadcast %rsqrt3A : vector<1x4096xf32> to vector<64x4096xf32>
    %mul3A_86 = arith.mulf %sub3A_81, %mul3A_85 : vector<64x4096xf32>
    %mul3A_87 = vector.broadcast %get3A_4 : vector<64x1xf32> to vector<64x4096xf32>
    %mul3A_88 = arith.mulf %mul3A_86, %mul3A_87 : vector<64x4096xf32>
    %add3A_89 = vector.broadcast %get3A_7 : vector<64x1xf32> to vector<64x4096xf32>
    %add3A_90 = arith.addf %mul3A_88, %add3A_89 : vector<64x4096xf32>
    %swap3A = arith.constant 0 : index
    %swap3A_91 = arith.constant 0 : index
    %swap3A_92 = arith.constant 0 : index
    %swap3A_93 = vector.load %arg5[%swap3A, %swap3A_91, %swap3A_92] : memref<8x64x4096xf32, #tpu.memory_space<vmem>>, vector<1x64x4096xf32>
    %swap3A_94 = vector.shape_cast %swap3A_93 : vector<1x64x4096xf32> to vector<64x4096xf32>
    %swap3A_95 = vector.shape_cast %add3A_90 : vector<64x4096xf32> to vector<1x64x4096xf32>
    tpu.vector_store %arg5[%swap3A, %swap3A_91, %swap3A_92], %swap3A_95 {strides = array<i32>} : memref<8x64x4096xf32, #tpu.memory_space<vmem>>, vector<1x64x4096xf32>,
    %slice3A_96 = vector.extract_strided_slice %bitcast_convert_type3A {offsets = [1024, 0], sizes = [1024, 128], strides = [1, 1]} : vector<8192x128xi32> to vector<1024x128xi32>
    %transpose3A_97 = tpu.transpose %slice3A_96, [1, 0] : vector<1024x128xi32> -> vector<128x1024xi32>
    %slice3A_98 = vector.extract_strided_slice %transpose3A_97 {offsets = [0, 0], sizes = [32, 1024], strides = [1, 1]} : vector<128x1024xi32> to vector<32x1024xi32>
    %shift_left3A_99 = arith.constant 16 : i32
    %shift_left3A_100 = vector.broadcast %shift_left3A_99 : i32 to vector<32x1024xi32>
    %shift_left3A_101 = arith.shli %slice3A_98, %shift_left3A_100 : vector<32x1024xi32>
    %bitcast_convert_type3A_102 = tpu.bitcast %shift_left3A_101 : vector<32x1024xi32> -> vector<32x1024xf32>
    %and3A_103 = arith.constant -65536 : i32
    %and3A_104 = vector.broadcast %and3A_103 : i32 to vector<32x1024xi32>
    %and3A_105 = arith.andi %slice3A_98, %and3A_104 : vector<32x1024xi32>
    %bitcast_convert_type3A_106 = tpu.bitcast %and3A_105 : vector<32x1024xi32> -> vector<32x1024xf32>
    %concatenate3A_107 = tpu.concatenate %bitcast_convert_type3A_102, %bitcast_convert_type3A_106 in 0 : vector<32x1024xf32>, vector<32x1024xf32> -> vector<64x1024xf32>
    %slice3A_108 = vector.extract_strided_slice %transpose3A_97 {offsets = [32, 0], sizes = [32, 1024], strides = [1, 1]} : vector<128x1024xi32> to vector<32x1024xi32>
    %shift_left3A_109 = arith.constant 16 : i32
    %shift_left3A_110 = vector.broadcast %shift_left3A_109 : i32 to vector<32x1024xi32>
    %shift_left3A_111 = arith.shli %slice3A_108, %shift_left3A_110 : vector<32x1024xi32>
    %bitcast_convert_type3A_112 = tpu.bitcast %shift_left3A_111 : vector<32x1024xi32> -> vector<32x1024xf32>
    %and3A_113 = arith.constant -65536 : i32
    %and3A_114 = vector.broadcast %and3A_113 : i32 to vector<32x1024xi32>
    %and3A_115 = arith.andi %slice3A_108, %and3A_114 : vector<32x1024xi32>
    %bitcast_convert_type3A_116 = tpu.bitcast %and3A_115 : vector<32x1024xi32> -> vector<32x1024xf32>
    %concatenate3A_117 = tpu.concatenate %bitcast_convert_type3A_112, %bitcast_convert_type3A_116 in 0 : vector<32x1024xf32>, vector<32x1024xf32> -> vector<64x1024xf32>
    %slice3A_118 = vector.extract_strided_slice %transpose3A_97 {offsets = [64, 0], sizes = [32, 1024], strides = [1, 1]} : vector<128x1024xi32> to vector<32x1024xi32>
    %shift_left3A_119 = arith.constant 16 : i32
    %shift_left3A_120 = vector.broadcast %shift_left3A_119 : i32 to vector<32x1024xi32>
    %shift_left3A_121 = arith.shli %slice3A_118, %shift_left3A_120 : vector<32x1024xi32>
    %bitcast_convert_type3A_122 = tpu.bitcast %shift_left3A_121 : vector<32x1024xi32> -> vector<32x1024xf32>
    %and3A_123 = arith.constant -65536 : i32
    %and3A_124 = vector.broadcast %and3A_123 : i32 to vector<32x1024xi32>
    %and3A_125 = arith.andi %slice3A_118, %and3A_124 : vector<32x1024xi32>
    %bitcast_convert_type3A_126 = tpu.bitcast %and3A_125 : vector<32x1024xi32> -> vector<32x1024xf32>
    %concatenate3A_127 = tpu.concatenate %bitcast_convert_type3A_122, %bitcast_convert_type3A_126 in 0 : vector<32x1024xf32>, vector<32x1024xf32> -> vector<64x1024xf32>
    %slice3A_128 = vector.extract_strided_slice %transpose3A_97 {offsets = [96, 0], sizes = [32, 1024], strides = [1, 1]} : vector<128x1024xi32> to vector<32x1024xi32>
    %shift_left3A_129 = arith.constant 16 : i32
    %shift_left3A_130 = vector.broadcast %shift_left3A_129 : i32 to vector<32x1024xi32>
    %shift_left3A_131 = arith.shli %slice3A_128, %shift_left3A_130 : vector<32x1024xi32>
    %bitcast_convert_type3A_132 = tpu.bitcast %shift_left3A_131 : vector<32x1024xi32> -> vector<32x1024xf32>
    %and3A_133 = arith.constant -65536 : i32
    %and3A_134 = vector.broadcast %and3A_133 : i32 to vector<32x1024xi32>
    %and3A_135 = arith.andi %slice3A_128, %and3A_134 : vector<32x1024xi32>
    %bitcast_convert_type3A_136 = tpu.bitcast %and3A_135 : vector<32x1024xi32> -> vector<32x1024xf32>
    %concatenate3A_137 = tpu.concatenate %bitcast_convert_type3A_132, %bitcast_convert_type3A_136 in 0 : vector<32x1024xf32>, vector<32x1024xf32> -> vector<64x1024xf32>
    %concatenate3A_138 = tpu.concatenate %concatenate3A_107, %concatenate3A_117, %concatenate3A_127, %concatenate3A_137 in 1 : vector<64x1024xf32>, vector<64x1024xf32>, vector<64x1024xf32>, vector<64x1024xf32> -> vector<64x4096xf32>
    %get3A_139 = arith.constant 1 : index
    %get3A_140 = arith.constant 0 : index
    %get3A_141 = arith.constant 0 : index
    %get3A_142 = vector.load %arg2[%get3A_139, %get3A_140, %get3A_141] : memref<8x1x4096xi32, #tpu.memory_space<vmem>>, vector<1x1x4096xi32>
    %get3A_143 = vector.shape_cast %get3A_142 : vector<1x1x4096xi32> to vector<1x4096xi32>
    %convert_element_type3A_144 = arith.sitofp %get3A_143 : vector<1x4096xi32> to vector<1x4096xf32>
    %get3A_145 = arith.constant 1 : index
    %get3A_146 = arith.constant 0 : index
    %get3A_147 = arith.constant 0 : index
    %get3A_148 = vector.load %arg3[%get3A_145, %get3A_146, %get3A_147] : memref<8x64x1xf32, #tpu.memory_space<vmem>>, vector<1x64x1xf32>
    %get3A_149 = vector.shape_cast %get3A_148 : vector<1x64x1xf32> to vector<64x1xf32>
    %add3A_150 = vector.broadcast %get3A_149 : vector<64x1xf32> to vector<64x4096xf32>
    %add3A_151 = arith.addf %concatenate3A_138, %add3A_150 : vector<64x4096xf32>
    %add3A_152 = vector.broadcast %get3A_10 : vector<64x1xf32> to vector<64x4096xf32>
    %add3A_153 = arith.addf %add3A_151, %add3A_152 : vector<64x4096xf32>
    %sub3A_154 = arith.subf %get3A_13, %get3A_10 : vector<64x1xf32>
    %mul3A_155 = vector.broadcast %convert_element_type3A_144 : vector<1x4096xf32> to vector<64x4096xf32>
    %mul3A_156 = vector.broadcast %sub3A_154 : vector<64x1xf32> to vector<64x4096xf32>
    %mul3A_157 = arith.mulf %mul3A_155, %mul3A_156 : vector<64x4096xf32>
    %add3A_158 = arith.addf %add3A_153, %mul3A_157 : vector<64x4096xf32>
    %reduce_sum3A_159 = arith.constant dense<0.000000e+00> : vector<4096xf32>
    %reduce_sum3A_160 = vector.multi_reduction <add>, %add3A_158, %reduce_sum3A_159 [0] : vector<64x4096xf32> to vector<4096xf32>
    %broadcast_in_dim3A_161 = vector.shape_cast %reduce_sum3A_160 : vector<4096xf32> to vector<1x4096xf32>
    %div3A_162 = arith.constant 6.400000e+01 : f32
    %div3A_163 = vector.broadcast %div3A_162 : f32 to vector<1x4096xf32>
    %div3A_164 = arith.divf %broadcast_in_dim3A_161, %div3A_163 : vector<1x4096xf32>
    %mul3A_165 = arith.mulf %add3A_158, %add3A_158 : vector<64x4096xf32>
    %reduce_sum3A_166 = arith.constant dense<0.000000e+00> : vector<4096xf32>
    %reduce_sum3A_167 = vector.multi_reduction <add>, %mul3A_165, %reduce_sum3A_166 [0] : vector<64x4096xf32> to vector<4096xf32>
    %broadcast_in_dim3A_168 = vector.shape_cast %reduce_sum3A_167 : vector<4096xf32> to vector<1x4096xf32>
    %div3A_169 = arith.constant 6.400000e+01 : f32
    %div3A_170 = vector.broadcast %div3A_169 : f32 to vector<1x4096xf32>
    %div3A_171 = arith.divf %broadcast_in_dim3A_168, %div3A_170 : vector<1x4096xf32>
    %mul3A_172 = arith.mulf %div3A_164, %div3A_164 : vector<1x4096xf32>
    %sub3A_173 = arith.subf %div3A_171, %mul3A_172 : vector<1x4096xf32>
    %sub3A_174 = vector.broadcast %div3A_164 : vector<1x4096xf32> to vector<64x4096xf32>
    %sub3A_175 = arith.subf %add3A_158, %sub3A_174 : vector<64x4096xf32>
    %add3A_176 = arith.constant 9.99999997E-7 : f32
    %add3A_177 = vector.broadcast %add3A_176 : f32 to vector<1x4096xf32>
    %add3A_178 = arith.addf %sub3A_173, %add3A_177 : vector<1x4096xf32>
    %rsqrt3A_179 = math.rsqrt %add3A_178 : vector<1x4096xf32>
    %mul3A_180 = vector.broadcast %rsqrt3A_179 : vector<1x4096xf32> to vector<64x4096xf32>
    %mul3A_181 = arith.mulf %sub3A_175, %mul3A_180 : vector<64x4096xf32>
    %mul3A_182 = vector.broadcast %get3A_4 : vector<64x1xf32> to vector<64x4096xf32>
    %mul3A_183 = arith.mulf %mul3A_181, %mul3A_182 : vector<64x4096xf32>
    %add3A_184 = vector.broadcast %get3A_7 : vector<64x1xf32> to vector<64x4096xf32>
    %add3A_185 = arith.addf %mul3A_183, %add3A_184 : vector<64x4096xf32>
    %swap3A_186 = arith.constant 1 : index
    %swap3A_187 = arith.constant 0 : index
    %swap3A_188 = arith.constant 0 : index
    %swap3A_189 = vector.load %arg5[%swap3A_186, %swap3A_187, %swap3A_188] : memref<8x64x4096xf32, #tpu.memory_space<vmem>>, vector<1x64x4096xf32>
    %swap3A_190 = vector.shape_cast %swap3A_189 : vector<1x64x4096xf32> to vector<64x4096xf32>
    %swap3A_191 = vector.shape_cast %add3A_185 : vector<64x4096xf32> to vector<1x64x4096xf32>
    tpu.vector_store %arg5[%swap3A_186, %swap3A_187, %swap3A_188], %swap3A_191 {strides = array<i32>} : memref<8x64x4096xf32, #tpu.memory_space<vmem>>, vector<1x64x4096xf32>,
    %slice3A_192 = vector.extract_strided_slice %bitcast_convert_type3A {offsets = [2048, 0], sizes = [1024, 128], strides = [1, 1]} : vector<8192x128xi32> to vector<1024x128xi32>
    %transpose3A_193 = tpu.transpose %slice3A_192, [1, 0] : vector<1024x128xi32> -> vector<128x1024xi32>
    %slice3A_194 = vector.extract_strided_slice %transpose3A_193 {offsets = [0, 0], sizes = [32, 1024], strides = [1, 1]} : vector<128x1024xi32> to vector<32x1024xi32>
    %shift_left3A_195 = arith.constant 16 : i32
    %shift_left3A_196 = vector.broadcast %shift_left3A_195 : i32 to vector<32x1024xi32>
    %shift_left3A_197 = arith.shli %slice3A_194, %shift_left3A_196 : vector<32x1024xi32>
    %bitcast_convert_type3A_198 = tpu.bitcast %shift_left3A_197 : vector<32x1024xi32> -> vector<32x1024xf32>
    %and3A_199 = arith.constant -65536 : i32
    %and3A_200 = vector.broadcast %and3A_199 : i32 to vector<32x1024xi32>
    %and3A_201 = arith.andi %slice3A_194, %and3A_200 : vector<32x1024xi32>
    %bitcast_convert_type3A_202 = tpu.bitcast %and3A_201 : vector<32x1024xi32> -> vector<32x1024xf32>
    %concatenate3A_203 = tpu.concatenate %bitcast_convert_type3A_198, %bitcast_convert_type3A_202 in 0 : vector<32x1024xf32>, vector<32x1024xf32> -> vector<64x1024xf32>
    %slice3A_204 = vector.extract_strided_slice %transpose3A_193 {offsets = [32, 0], sizes = [32, 1024], strides = [1, 1]} : vector<128x1024xi32> to vector<32x1024xi32>
    %shift_left3A_205 = arith.constant 16 : i32
    %shift_left3A_206 = vector.broadcast %shift_left3A_205 : i32 to vector<32x1024xi32>
    %shift_left3A_207 = arith.shli %slice3A_204, %shift_left3A_206 : vector<32x1024xi32>
    %bitcast_convert_type3A_208 = tpu.bitcast %shift_left3A_207 : vector<32x1024xi32> -> vector<32x1024xf32>
    %and3A_209 = arith.constant -65536 : i32
    %and3A_210 = vector.broadcast %and3A_209 : i32 to vector<32x1024xi32>
    %and3A_211 = arith.andi %slice3A_204, %and3A_210 : vector<32x1024xi32>
    %bitcast_convert_type3A_212 = tpu.bitcast %and3A_211 : vector<32x1024xi32> -> vector<32x1024xf32>
    %concatenate3A_213 = tpu.concatenate %bitcast_convert_type3A_208, %bitcast_convert_type3A_212 in 0 : vector<32x1024xf32>, vector<32x1024xf32> -> vector<64x1024xf32>
    %slice3A_214 = vector.extract_strided_slice %transpose3A_193 {offsets = [64, 0], sizes = [32, 1024], strides = [1, 1]} : vector<128x1024xi32> to vector<32x1024xi32>
    %shift_left3A_215 = arith.constant 16 : i32
    %shift_left3A_216 = vector.broadcast %shift_left3A_215 : i32 to vector<32x1024xi32>
    %shift_left3A_217 = arith.shli %slice3A_214, %shift_left3A_216 : vector<32x1024xi32>
    %bitcast_convert_type3A_218 = tpu.bitcast %shift_left3A_217 : vector<32x1024xi32> -> vector<32x1024xf32>
    %and3A_219 = arith.constant -65536 : i32
    %and3A_220 = vector.broadcast %and3A_219 : i32 to vector<32x1024xi32>
    %and3A_221 = arith.andi %slice3A_214, %and3A_220 : vector<32x1024xi32>
    %bitcast_convert_type3A_222 = tpu.bitcast %and3A_221 : vector<32x1024xi32> -> vector<32x1024xf32>
    %concatenate3A_223 = tpu.concatenate %bitcast_convert_type3A_218, %bitcast_convert_type3A_222 in 0 : vector<32x1024xf32>, vector<32x1024xf32> -> vector<64x1024xf32>
    %slice3A_224 = vector.extract_strided_slice %transpose3A_193 {offsets = [96, 0], sizes = [32, 1024], strides = [1, 1]} : vector<128x1024xi32> to vector<32x1024xi32>
    %shift_left3A_225 = arith.constant 16 : i32
    %shift_left3A_226 = vector.broadcast %shift_left3A_225 : i32 to vector<32x1024xi32>
    %shift_left3A_227 = arith.shli %slice3A_224, %shift_left3A_226 : vector<32x1024xi32>
    %bitcast_convert_type3A_228 = tpu.bitcast %shift_left3A_227 : vector<32x1024xi32> -> vector<32x1024xf32>
    %and3A_229 = arith.constant -65536 : i32
    %and3A_230 = vector.broadcast %and3A_229 : i32 to vector<32x1024xi32>
    %and3A_231 = arith.andi %slice3A_224, %and3A_230 : vector<32x1024xi32>
    %bitcast_convert_type3A_232 = tpu.bitcast %and3A_231 : vector<32x1024xi32> -> vector<32x1024xf32>
    %concatenate3A_233 = tpu.concatenate %bitcast_convert_type3A_228, %bitcast_convert_type3A_232 in 0 : vector<32x1024xf32>, vector<32x1024xf32> -> vector<64x1024xf32>
    %concatenate3A_234 = tpu.concatenate %concatenate3A_203, %concatenate3A_213, %concatenate3A_223, %concatenate3A_233 in 1 : vector<64x1024xf32>, vector<64x1024xf32>, vector<64x1024xf32>, vector<64x1024xf32> -> vector<64x4096xf32>
    %get3A_235 = arith.constant 2 : index
    %get3A_236 = arith.constant 0 : index
    %get3A_237 = arith.constant 0 : index
    %get3A_238 = vector.load %arg2[%get3A_235, %get3A_236, %get3A_237] : memref<8x1x4096xi32, #tpu.memory_space<vmem>>, vector<1x1x4096xi32>
    %get3A_239 = vector.shape_cast %get3A_238 : vector<1x1x4096xi32> to vector<1x4096xi32>
    %convert_element_type3A_240 = arith.sitofp %get3A_239 : vector<1x4096xi32> to vector<1x4096xf32>
    %get3A_241 = arith.constant 2 : index
    %get3A_242 = arith.constant 0 : index
    %get3A_243 = arith.constant 0 : index
    %get3A_244 = vector.load %arg3[%get3A_241, %get3A_242, %get3A_243] : memref<8x64x1xf32, #tpu.memory_space<vmem>>, vector<1x64x1xf32>
    %get3A_245 = vector.shape_cast %get3A_244 : vector<1x64x1xf32> to vector<64x1xf32>
    %add3A_246 = vector.broadcast %get3A_245 : vector<64x1xf32> to vector<64x4096xf32>
    %add3A_247 = arith.addf %concatenate3A_234, %add3A_246 : vector<64x4096xf32>
    %add3A_248 = vector.broadcast %get3A_10 : vector<64x1xf32> to vector<64x4096xf32>
    %add3A_249 = arith.addf %add3A_247, %add3A_248 : vector<64x4096xf32>
    %sub3A_250 = arith.subf %get3A_13, %get3A_10 : vector<64x1xf32>
    %mul3A_251 = vector.broadcast %convert_element_type3A_240 : vector<1x4096xf32> to vector<64x4096xf32>
    %mul3A_252 = vector.broadcast %sub3A_250 : vector<64x1xf32> to vector<64x4096xf32>
    %mul3A_253 = arith.mulf %mul3A_251, %mul3A_252 : vector<64x4096xf32>
    %add3A_254 = arith.addf %add3A_249, %mul3A_253 : vector<64x4096xf32>
    %reduce_sum3A_255 = arith.constant dense<0.000000e+00> : vector<4096xf32>
    %reduce_sum3A_256 = vector.multi_reduction <add>, %add3A_254, %reduce_sum3A_255 [0] : vector<64x4096xf32> to vector<4096xf32>
    %broadcast_in_dim3A_257 = vector.shape_cast %reduce_sum3A_256 : vector<4096xf32> to vector<1x4096xf32>
    %div3A_258 = arith.constant 6.400000e+01 : f32
    %div3A_259 = vector.broadcast %div3A_258 : f32 to vector<1x4096xf32>
    %div3A_260 = arith.divf %broadcast_in_dim3A_257, %div3A_259 : vector<1x4096xf32>
    %mul3A_261 = arith.mulf %add3A_254, %add3A_254 : vector<64x4096xf32>
    %reduce_sum3A_262 = arith.constant dense<0.000000e+00> : vector<4096xf32>
    %reduce_sum3A_263 = vector.multi_reduction <add>, %mul3A_261, %reduce_sum3A_262 [0] : vector<64x4096xf32> to vector<4096xf32>
    %broadcast_in_dim3A_264 = vector.shape_cast %reduce_sum3A_263 : vector<4096xf32> to vector<1x4096xf32>
    %div3A_265 = arith.constant 6.400000e+01 : f32
    %div3A_266 = vector.broadcast %div3A_265 : f32 to vector<1x4096xf32>
    %div3A_267 = arith.divf %broadcast_in_dim3A_264, %div3A_266 : vector<1x4096xf32>
    %mul3A_268 = arith.mulf %div3A_260, %div3A_260 : vector<1x4096xf32>
    %sub3A_269 = arith.subf %div3A_267, %mul3A_268 : vector<1x4096xf32>
    %sub3A_270 = vector.broadcast %div3A_260 : vector<1x4096xf32> to vector<64x4096xf32>
    %sub3A_271 = arith.subf %add3A_254, %sub3A_270 : vector<64x4096xf32>
    %add3A_272 = arith.constant 9.99999997E-7 : f32
    %add3A_273 = vector.broadcast %add3A_272 : f32 to vector<1x4096xf32>
    %add3A_274 = arith.addf %sub3A_269, %add3A_273 : vector<1x4096xf32>
    %rsqrt3A_275 = math.rsqrt %add3A_274 : vector<1x4096xf32>
    %mul3A_276 = vector.broadcast %rsqrt3A_275 : vector<1x4096xf32> to vector<64x4096xf32>
    %mul3A_277 = arith.mulf %sub3A_271, %mul3A_276 : vector<64x4096xf32>
    %mul3A_278 = vector.broadcast %get3A_4 : vector<64x1xf32> to vector<64x4096xf32>
    %mul3A_279 = arith.mulf %mul3A_277, %mul3A_278 : vector<64x4096xf32>
    %add3A_280 = vector.broadcast %get3A_7 : vector<64x1xf32> to vector<64x4096xf32>
    %add3A_281 = arith.addf %mul3A_279, %add3A_280 : vector<64x4096xf32>
    %swap3A_282 = arith.constant 2 : index
    %swap3A_283 = arith.constant 0 : index
    %swap3A_284 = arith.constant 0 : index
    %swap3A_285 = vector.load %arg5[%swap3A_282, %swap3A_283, %swap3A_284] : memref<8x64x4096xf32, #tpu.memory_space<vmem>>, vector<1x64x4096xf32>
    %swap3A_286 = vector.shape_cast %swap3A_285 : vector<1x64x4096xf32> to vector<64x4096xf32>
    %swap3A_287 = vector.shape_cast %add3A_281 : vector<64x4096xf32> to vector<1x64x4096xf32>
    tpu.vector_store %arg5[%swap3A_282, %swap3A_283, %swap3A_284], %swap3A_287 {strides = array<i32>} : memref<8x64x4096xf32, #tpu.memory_space<vmem>>, vector<1x64x4096xf32>,
    %slice3A_288 = vector.extract_strided_slice %bitcast_convert_type3A {offsets = [3072, 0], sizes = [1024, 128], strides = [1, 1]} : vector<8192x128xi32> to vector<1024x128xi32>
    %transpose3A_289 = tpu.transpose %slice3A_288, [1, 0] : vector<1024x128xi32> -> vector<128x1024xi32>
    %slice3A_290 = vector.extract_strided_slice %transpose3A_289 {offsets = [0, 0], sizes = [32, 1024], strides = [1, 1]} : vector<128x1024xi32> to vector<32x1024xi32>
    %shift_left3A_291 = arith.constant 16 : i32
    %shift_left3A_292 = vector.broadcast %shift_left3A_291 : i32 to vector<32x1024xi32>
    %shift_left3A_293 = arith.shli %slice3A_290, %shift_left3A_292 : vector<32x1024xi32>
    %bitcast_convert_type3A_294 = tpu.bitcast %shift_left3A_293 : vector<32x1024xi32> -> vector<32x1024xf32>
    %and3A_295 = arith.constant -65536 : i32
    %and3A_296 = vector.broadcast %and3A_295 : i32 to vector<32x1024xi32>
    %and3A_297 = arith.andi %slice3A_290, %and3A_296 : vector<32x1024xi32>
    %bitcast_convert_type3A_298 = tpu.bitcast %and3A_297 : vector<32x1024xi32> -> vector<32x1024xf32>
    %concatenate3A_299 = tpu.concatenate %bitcast_convert_type3A_294, %bitcast_convert_type3A_298 in 0 : vector<32x1024xf32>, vector<32x1024xf32> -> vector<64x1024xf32>
    %slice3A_300 = vector.extract_strided_slice %transpose3A_289 {offsets = [32, 0], sizes = [32, 1024], strides = [1, 1]} : vector<128x1024xi32> to vector<32x1024xi32>
    %shift_left3A_301 = arith.constant 16 : i32
    %shift_left3A_302 = vector.broadcast %shift_left3A_301 : i32 to vector<32x1024xi32>
    %shift_left3A_303 = arith.shli %slice3A_300, %shift_left3A_302 : vector<32x1024xi32>
    %bitcast_convert_type3A_304 = tpu.bitcast %shift_left3A_303 : vector<32x1024xi32> -> vector<32x1024xf32>
    %and3A_305 = arith.constant -65536 : i32
    %and3A_306 = vector.broadcast %and3A_305 : i32 to vector<32x1024xi32>
    %and3A_307 = arith.andi %slice3A_300, %and3A_306 : vector<32x1024xi32>
    %bitcast_convert_type3A_308 = tpu.bitcast %and3A_307 : vector<32x1024xi32> -> vector<32x1024xf32>
    %concatenate3A_309 = tpu.concatenate %bitcast_convert_type3A_304, %bitcast_convert_type3A_308 in 0 : vector<32x1024xf32>, vector<32x1024xf32> -> vector<64x1024xf32>
    %slice3A_310 = vector.extract_strided_slice %transpose3A_289 {offsets = [64, 0], sizes = [32, 1024], strides = [1, 1]} : vector<128x1024xi32> to vector<32x1024xi32>
    %shift_left3A_311 = arith.constant 16 : i32
    %shift_left3A_312 = vector.broadcast %shift_left3A_311 : i32 to vector<32x1024xi32>
    %shift_left3A_313 = arith.shli %slice3A_310, %shift_left3A_312 : vector<32x1024xi32>
    %bitcast_convert_type3A_314 = tpu.bitcast %shift_left3A_313 : vector<32x1024xi32> -> vector<32x1024xf32>
    %and3A_315 = arith.constant -65536 : i32
    %and3A_316 = vector.broadcast %and3A_315 : i32 to vector<32x1024xi32>
    %and3A_317 = arith.andi %slice3A_310, %and3A_316 : vector<32x1024xi32>
    %bitcast_convert_type3A_318 = tpu.bitcast %and3A_317 : vector<32x1024xi32> -> vector<32x1024xf32>
    %concatenate3A_319 = tpu.concatenate %bitcast_convert_type3A_314, %bitcast_convert_type3A_318 in 0 : vector<32x1024xf32>, vector<32x1024xf32> -> vector<64x1024xf32>
    %slice3A_320 = vector.extract_strided_slice %transpose3A_289 {offsets = [96, 0], sizes = [32, 1024], strides = [1, 1]} : vector<128x1024xi32> to vector<32x1024xi32>
    %shift_left3A_321 = arith.constant 16 : i32
    %shift_left3A_322 = vector.broadcast %shift_left3A_321 : i32 to vector<32x1024xi32>
    %shift_left3A_323 = arith.shli %slice3A_320, %shift_left3A_322 : vector<32x1024xi32>
    %bitcast_convert_type3A_324 = tpu.bitcast %shift_left3A_323 : vector<32x1024xi32> -> vector<32x1024xf32>
    %and3A_325 = arith.constant -65536 : i32
    %and3A_326 = vector.broadcast %and3A_325 : i32 to vector<32x1024xi32>
    %and3A_327 = arith.andi %slice3A_320, %and3A_326 : vector<32x1024xi32>
    %bitcast_convert_type3A_328 = tpu.bitcast %and3A_327 : vector<32x1024xi32> -> vector<32x1024xf32>
    %concatenate3A_329 = tpu.concatenate %bitcast_convert_type3A_324, %bitcast_convert_type3A_328 in 0 : vector<32x1024xf32>, vector<32x1024xf32> -> vector<64x1024xf32>
    %concatenate3A_330 = tpu.concatenate %concatenate3A_299, %concatenate3A_309, %concatenate3A_319, %concatenate3A_329 in 1 : vector<64x1024xf32>, vector<64x1024xf32>, vector<64x1024xf32>, vector<64x1024xf32> -> vector<64x4096xf32>
    %get3A_331 = arith.constant 3 : index
    %get3A_332 = arith.constant 0 : index
    %get3A_333 = arith.constant 0 : index
    %get3A_334 = vector.load %arg2[%get3A_331, %get3A_332, %get3A_333] : memref<8x1x4096xi32, #tpu.memory_space<vmem>>, vector<1x1x4096xi32>
    %get3A_335 = vector.shape_cast %get3A_334 : vector<1x1x4096xi32> to vector<1x4096xi32>
    %convert_element_type3A_336 = arith.sitofp %get3A_335 : vector<1x4096xi32> to vector<1x4096xf32>
    %get3A_337 = arith.constant 3 : index
    %get3A_338 = arith.constant 0 : index
    %get3A_339 = arith.constant 0 : index
    %get3A_340 = vector.load %arg3[%get3A_337, %get3A_338, %get3A_339] : memref<8x64x1xf32, #tpu.memory_space<vmem>>, vector<1x64x1xf32>
    %get3A_341 = vector.shape_cast %get3A_340 : vector<1x64x1xf32> to vector<64x1xf32>
    %add3A_342 = vector.broadcast %get3A_341 : vector<64x1xf32> to vector<64x4096xf32>
    %add3A_343 = arith.addf %concatenate3A_330, %add3A_342 : vector<64x4096xf32>
    %add3A_344 = vector.broadcast %get3A_10 : vector<64x1xf32> to vector<64x4096xf32>
    %add3A_345 = arith.addf %add3A_343, %add3A_344 : vector<64x4096xf32>
    %sub3A_346 = arith.subf %get3A_13, %get3A_10 : vector<64x1xf32>
    %mul3A_347 = vector.broadcast %convert_element_type3A_336 : vector<1x4096xf32> to vector<64x4096xf32>
    %mul3A_348 = vector.broadcast %sub3A_346 : vector<64x1xf32> to vector<64x4096xf32>
    %mul3A_349 = arith.mulf %mul3A_347, %mul3A_348 : vector<64x4096xf32>
    %add3A_350 = arith.addf %add3A_345, %mul3A_349 : vector<64x4096xf32>
    %reduce_sum3A_351 = arith.constant dense<0.000000e+00> : vector<4096xf32>
    %reduce_sum3A_352 = vector.multi_reduction <add>, %add3A_350, %reduce_sum3A_351 [0] : vector<64x4096xf32> to vector<4096xf32>
    %broadcast_in_dim3A_353 = vector.shape_cast %reduce_sum3A_352 : vector<4096xf32> to vector<1x4096xf32>
    %div3A_354 = arith.constant 6.400000e+01 : f32
    %div3A_355 = vector.broadcast %div3A_354 : f32 to vector<1x4096xf32>
    %div3A_356 = arith.divf %broadcast_in_dim3A_353, %div3A_355 : vector<1x4096xf32>
    %mul3A_357 = arith.mulf %add3A_350, %add3A_350 : vector<64x4096xf32>
    %reduce_sum3A_358 = arith.constant dense<0.000000e+00> : vector<4096xf32>
    %reduce_sum3A_359 = vector.multi_reduction <add>, %mul3A_357, %reduce_sum3A_358 [0] : vector<64x4096xf32> to vector<4096xf32>
    %broadcast_in_dim3A_360 = vector.shape_cast %reduce_sum3A_359 : vector<4096xf32> to vector<1x4096xf32>
    %div3A_361 = arith.constant 6.400000e+01 : f32
    %div3A_362 = vector.broadcast %div3A_361 : f32 to vector<1x4096xf32>
    %div3A_363 = arith.divf %broadcast_in_dim3A_360, %div3A_362 : vector<1x4096xf32>
    %mul3A_364 = arith.mulf %div3A_356, %div3A_356 : vector<1x4096xf32>
    %sub3A_365 = arith.subf %div3A_363, %mul3A_364 : vector<1x4096xf32>
    %sub3A_366 = vector.broadcast %div3A_356 : vector<1x4096xf32> to vector<64x4096xf32>
    %sub3A_367 = arith.subf %add3A_350, %sub3A_366 : vector<64x4096xf32>
    %add3A_368 = arith.constant 9.99999997E-7 : f32
    %add3A_369 = vector.broadcast %add3A_368 : f32 to vector<1x4096xf32>
    %add3A_370 = arith.addf %sub3A_365, %add3A_369 : vector<1x4096xf32>
    %rsqrt3A_371 = math.rsqrt %add3A_370 : vector<1x4096xf32>
    %mul3A_372 = vector.broadcast %rsqrt3A_371 : vector<1x4096xf32> to vector<64x4096xf32>
    %mul3A_373 = arith.mulf %sub3A_367, %mul3A_372 : vector<64x4096xf32>
    %mul3A_374 = vector.broadcast %get3A_4 : vector<64x1xf32> to vector<64x4096xf32>
    %mul3A_375 = arith.mulf %mul3A_373, %mul3A_374 : vector<64x4096xf32>
    %add3A_376 = vector.broadcast %get3A_7 : vector<64x1xf32> to vector<64x4096xf32>
    %add3A_377 = arith.addf %mul3A_375, %add3A_376 : vector<64x4096xf32>
    %swap3A_378 = arith.constant 3 : index
    %swap3A_379 = arith.constant 0 : index
    %swap3A_380 = arith.constant 0 : index
    %swap3A_381 = vector.load %arg5[%swap3A_378, %swap3A_379, %swap3A_380] : memref<8x64x4096xf32, #tpu.memory_space<vmem>>, vector<1x64x4096xf32>
    %swap3A_382 = vector.shape_cast %swap3A_381 : vector<1x64x4096xf32> to vector<64x4096xf32>
    %swap3A_383 = vector.shape_cast %add3A_377 : vector<64x4096xf32> to vector<1x64x4096xf32>
    tpu.vector_store %arg5[%swap3A_378, %swap3A_379, %swap3A_380], %swap3A_383 {strides = array<i32>} : memref<8x64x4096xf32, #tpu.memory_space<vmem>>, vector<1x64x4096xf32>,
    %slice3A_384 = vector.extract_strided_slice %bitcast_convert_type3A {offsets = [4096, 0], sizes = [1024, 128], strides = [1, 1]} : vector<8192x128xi32> to vector<1024x128xi32>
    %transpose3A_385 = tpu.transpose %slice3A_384, [1, 0] : vector<1024x128xi32> -> vector<128x1024xi32>
    %slice3A_386 = vector.extract_strided_slice %transpose3A_385 {offsets = [0, 0], sizes = [32, 1024], strides = [1, 1]} : vector<128x1024xi32> to vector<32x1024xi32>
    %shift_left3A_387 = arith.constant 16 : i32
    %shift_left3A_388 = vector.broadcast %shift_left3A_387 : i32 to vector<32x1024xi32>
    %shift_left3A_389 = arith.shli %slice3A_386, %shift_left3A_388 : vector<32x1024xi32>
    %bitcast_convert_type3A_390 = tpu.bitcast %shift_left3A_389 : vector<32x1024xi32> -> vector<32x1024xf32>
    %and3A_391 = arith.constant -65536 : i32
    %and3A_392 = vector.broadcast %and3A_391 : i32 to vector<32x1024xi32>
    %and3A_393 = arith.andi %slice3A_386, %and3A_392 : vector<32x1024xi32>
    %bitcast_convert_type3A_394 = tpu.bitcast %and3A_393 : vector<32x1024xi32> -> vector<32x1024xf32>
    %concatenate3A_395 = tpu.concatenate %bitcast_convert_type3A_390, %bitcast_convert_type3A_394 in 0 : vector<32x1024xf32>, vector<32x1024xf32> -> vector<64x1024xf32>
    %slice3A_396 = vector.extract_strided_slice %transpose3A_385 {offsets = [32, 0], sizes = [32, 1024], strides = [1, 1]} : vector<128x1024xi32> to vector<32x1024xi32>
    %shift_left3A_397 = arith.constant 16 : i32
    %shift_left3A_398 = vector.broadcast %shift_left3A_397 : i32 to vector<32x1024xi32>
    %shift_left3A_399 = arith.shli %slice3A_396, %shift_left3A_398 : vector<32x1024xi32>
    %bitcast_convert_type3A_400 = tpu.bitcast %shift_left3A_399 : vector<32x1024xi32> -> vector<32x1024xf32>
    %and3A_401 = arith.constant -65536 : i32
    %and3A_402 = vector.broadcast %and3A_401 : i32 to vector<32x1024xi32>
    %and3A_403 = arith.andi %slice3A_396, %and3A_402 : vector<32x1024xi32>
    %bitcast_convert_type3A_404 = tpu.bitcast %and3A_403 : vector<32x1024xi32> -> vector<32x1024xf32>
    %concatenate3A_405 = tpu.concatenate %bitcast_convert_type3A_400, %bitcast_convert_type3A_404 in 0 : vector<32x1024xf32>, vector<32x1024xf32> -> vector<64x1024xf32>
    %slice3A_406 = vector.extract_strided_slice %transpose3A_385 {offsets = [64, 0], sizes = [32, 1024], strides = [1, 1]} : vector<128x1024xi32> to vector<32x1024xi32>
    %shift_left3A_407 = arith.constant 16 : i32
    %shift_left3A_408 = vector.broadcast %shift_left3A_407 : i32 to vector<32x1024xi32>
    %shift_left3A_409 = arith.shli %slice3A_406, %shift_left3A_408 : vector<32x1024xi32>
    %bitcast_convert_type3A_410 = tpu.bitcast %shift_left3A_409 : vector<32x1024xi32> -> vector<32x1024xf32>
    %and3A_411 = arith.constant -65536 : i32
    %and3A_412 = vector.broadcast %and3A_411 : i32 to vector<32x1024xi32>
    %and3A_413 = arith.andi %slice3A_406, %and3A_412 : vector<32x1024xi32>
    %bitcast_convert_type3A_414 = tpu.bitcast %and3A_413 : vector<32x1024xi32> -> vector<32x1024xf32>
    %concatenate3A_415 = tpu.concatenate %bitcast_convert_type3A_410, %bitcast_convert_type3A_414 in 0 : vector<32x1024xf32>, vector<32x1024xf32> -> vector<64x1024xf32>
    %slice3A_416 = vector.extract_strided_slice %transpose3A_385 {offsets = [96, 0], sizes = [32, 1024], strides = [1, 1]} : vector<128x1024xi32> to vector<32x1024xi32>
    %shift_left3A_417 = arith.constant 16 : i32
    %shift_left3A_418 = vector.broadcast %shift_left3A_417 : i32 to vector<32x1024xi32>
    %shift_left3A_419 = arith.shli %slice3A_416, %shift_left3A_418 : vector<32x1024xi32>
    %bitcast_convert_type3A_420 = tpu.bitcast %shift_left3A_419 : vector<32x1024xi32> -> vector<32x1024xf32>
    %and3A_421 = arith.constant -65536 : i32
    %and3A_422 = vector.broadcast %and3A_421 : i32 to vector<32x1024xi32>
    %and3A_423 = arith.andi %slice3A_416, %and3A_422 : vector<32x1024xi32>
    %bitcast_convert_type3A_424 = tpu.bitcast %and3A_423 : vector<32x1024xi32> -> vector<32x1024xf32>
    %concatenate3A_425 = tpu.concatenate %bitcast_convert_type3A_420, %bitcast_convert_type3A_424 in 0 : vector<32x1024xf32>, vector<32x1024xf32> -> vector<64x1024xf32>
    %concatenate3A_426 = tpu.concatenate %concatenate3A_395, %concatenate3A_405, %concatenate3A_415, %concatenate3A_425 in 1 : vector<64x1024xf32>, vector<64x1024xf32>, vector<64x1024xf32>, vector<64x1024xf32> -> vector<64x4096xf32>
    %get3A_427 = arith.constant 4 : index
    %get3A_428 = arith.constant 0 : index
    %get3A_429 = arith.constant 0 : index
    %get3A_430 = vector.load %arg2[%get3A_427, %get3A_428, %get3A_429] : memref<8x1x4096xi32, #tpu.memory_space<vmem>>, vector<1x1x4096xi32>
    %get3A_431 = vector.shape_cast %get3A_430 : vector<1x1x4096xi32> to vector<1x4096xi32>
    %convert_element_type3A_432 = arith.sitofp %get3A_431 : vector<1x4096xi32> to vector<1x4096xf32>
    %get3A_433 = arith.constant 4 : index
    %get3A_434 = arith.constant 0 : index
    %get3A_435 = arith.constant 0 : index
    %get3A_436 = vector.load %arg3[%get3A_433, %get3A_434, %get3A_435] : memref<8x64x1xf32, #tpu.memory_space<vmem>>, vector<1x64x1xf32>
    %get3A_437 = vector.shape_cast %get3A_436 : vector<1x64x1xf32> to vector<64x1xf32>
    %add3A_438 = vector.broadcast %get3A_437 : vector<64x1xf32> to vector<64x4096xf32>
    %add3A_439 = arith.addf %concatenate3A_426, %add3A_438 : vector<64x4096xf32>
    %add3A_440 = vector.broadcast %get3A_10 : vector<64x1xf32> to vector<64x4096xf32>
    %add3A_441 = arith.addf %add3A_439, %add3A_440 : vector<64x4096xf32>
    %sub3A_442 = arith.subf %get3A_13, %get3A_10 : vector<64x1xf32>
    %mul3A_443 = vector.broadcast %convert_element_type3A_432 : vector<1x4096xf32> to vector<64x4096xf32>
    %mul3A_444 = vector.broadcast %sub3A_442 : vector<64x1xf32> to vector<64x4096xf32>
    %mul3A_445 = arith.mulf %mul3A_443, %mul3A_444 : vector<64x4096xf32>
    %add3A_446 = arith.addf %add3A_441, %mul3A_445 : vector<64x4096xf32>
    %reduce_sum3A_447 = arith.constant dense<0.000000e+00> : vector<4096xf32>
    %reduce_sum3A_448 = vector.multi_reduction <add>, %add3A_446, %reduce_sum3A_447 [0] : vector<64x4096xf32> to vector<4096xf32>
    %broadcast_in_dim3A_449 = vector.shape_cast %reduce_sum3A_448 : vector<4096xf32> to vector<1x4096xf32>
    %div3A_450 = arith.constant 6.400000e+01 : f32
    %div3A_451 = vector.broadcast %div3A_450 : f32 to vector<1x4096xf32>
    %div3A_452 = arith.divf %broadcast_in_dim3A_449, %div3A_451 : vector<1x4096xf32>
    %mul3A_453 = arith.mulf %add3A_446, %add3A_446 : vector<64x4096xf32>
    %reduce_sum3A_454 = arith.constant dense<0.000000e+00> : vector<4096xf32>
    %reduce_sum3A_455 = vector.multi_reduction <add>, %mul3A_453, %reduce_sum3A_454 [0] : vector<64x4096xf32> to vector<4096xf32>
    %broadcast_in_dim3A_456 = vector.shape_cast %reduce_sum3A_455 : vector<4096xf32> to vector<1x4096xf32>
    %div3A_457 = arith.constant 6.400000e+01 : f32
    %div3A_458 = vector.broadcast %div3A_457 : f32 to vector<1x4096xf32>
    %div3A_459 = arith.divf %broadcast_in_dim3A_456, %div3A_458 : vector<1x4096xf32>
    %mul3A_460 = arith.mulf %div3A_452, %div3A_452 : vector<1x4096xf32>
    %sub3A_461 = arith.subf %div3A_459, %mul3A_460 : vector<1x4096xf32>
    %sub3A_462 = vector.broadcast %div3A_452 : vector<1x4096xf32> to vector<64x4096xf32>
    %sub3A_463 = arith.subf %add3A_446, %sub3A_462 : vector<64x4096xf32>
    %add3A_464 = arith.constant 9.99999997E-7 : f32
    %add3A_465 = vector.broadcast %add3A_464 : f32 to vector<1x4096xf32>
    %add3A_466 = arith.addf %sub3A_461, %add3A_465 : vector<1x4096xf32>
    %rsqrt3A_467 = math.rsqrt %add3A_466 : vector<1x4096xf32>
    %mul3A_468 = vector.broadcast %rsqrt3A_467 : vector<1x4096xf32> to vector<64x4096xf32>
    %mul3A_469 = arith.mulf %sub3A_463, %mul3A_468 : vector<64x4096xf32>
    %mul3A_470 = vector.broadcast %get3A_4 : vector<64x1xf32> to vector<64x4096xf32>
    %mul3A_471 = arith.mulf %mul3A_469, %mul3A_470 : vector<64x4096xf32>
    %add3A_472 = vector.broadcast %get3A_7 : vector<64x1xf32> to vector<64x4096xf32>
    %add3A_473 = arith.addf %mul3A_471, %add3A_472 : vector<64x4096xf32>
    %swap3A_474 = arith.constant 4 : index
    %swap3A_475 = arith.constant 0 : index
    %swap3A_476 = arith.constant 0 : index
    %swap3A_477 = vector.load %arg5[%swap3A_474, %swap3A_475, %swap3A_476] : memref<8x64x4096xf32, #tpu.memory_space<vmem>>, vector<1x64x4096xf32>
    %swap3A_478 = vector.shape_cast %swap3A_477 : vector<1x64x4096xf32> to vector<64x4096xf32>
    %swap3A_479 = vector.shape_cast %add3A_473 : vector<64x4096xf32> to vector<1x64x4096xf32>
    tpu.vector_store %arg5[%swap3A_474, %swap3A_475, %swap3A_476], %swap3A_479 {strides = array<i32>} : memref<8x64x4096xf32, #tpu.memory_space<vmem>>, vector<1x64x4096xf32>,
    %slice3A_480 = vector.extract_strided_slice %bitcast_convert_type3A {offsets = [5120, 0], sizes = [1024, 128], strides = [1, 1]} : vector<8192x128xi32> to vector<1024x128xi32>
    %transpose3A_481 = tpu.transpose %slice3A_480, [1, 0] : vector<1024x128xi32> -> vector<128x1024xi32>
    %slice3A_482 = vector.extract_strided_slice %transpose3A_481 {offsets = [0, 0], sizes = [32, 1024], strides = [1, 1]} : vector<128x1024xi32> to vector<32x1024xi32>
    %shift_left3A_483 = arith.constant 16 : i32
    %shift_left3A_484 = vector.broadcast %shift_left3A_483 : i32 to vector<32x1024xi32>
    %shift_left3A_485 = arith.shli %slice3A_482, %shift_left3A_484 : vector<32x1024xi32>
    %bitcast_convert_type3A_486 = tpu.bitcast %shift_left3A_485 : vector<32x1024xi32> -> vector<32x1024xf32>
    %and3A_487 = arith.constant -65536 : i32
    %and3A_488 = vector.broadcast %and3A_487 : i32 to vector<32x1024xi32>
    %and3A_489 = arith.andi %slice3A_482, %and3A_488 : vector<32x1024xi32>
    %bitcast_convert_type3A_490 = tpu.bitcast %and3A_489 : vector<32x1024xi32> -> vector<32x1024xf32>
    %concatenate3A_491 = tpu.concatenate %bitcast_convert_type3A_486, %bitcast_convert_type3A_490 in 0 : vector<32x1024xf32>, vector<32x1024xf32> -> vector<64x1024xf32>
    %slice3A_492 = vector.extract_strided_slice %transpose3A_481 {offsets = [32, 0], sizes = [32, 1024], strides = [1, 1]} : vector<128x1024xi32> to vector<32x1024xi32>
    %shift_left3A_493 = arith.constant 16 : i32
    %shift_left3A_494 = vector.broadcast %shift_left3A_493 : i32 to vector<32x1024xi32>
    %shift_left3A_495 = arith.shli %slice3A_492, %shift_left3A_494 : vector<32x1024xi32>
    %bitcast_convert_type3A_496 = tpu.bitcast %shift_left3A_495 : vector<32x1024xi32> -> vector<32x1024xf32>
    %and3A_497 = arith.constant -65536 : i32
    %and3A_498 = vector.broadcast %and3A_497 : i32 to vector<32x1024xi32>
    %and3A_499 = arith.andi %slice3A_492, %and3A_498 : vector<32x1024xi32>
    %bitcast_convert_type3A_500 = tpu.bitcast %and3A_499 : vector<32x1024xi32> -> vector<32x1024xf32>
    %concatenate3A_501 = tpu.concatenate %bitcast_convert_type3A_496, %bitcast_convert_type3A_500 in 0 : vector<32x1024xf32>, vector<32x1024xf32> -> vector<64x1024xf32>
    %slice3A_502 = vector.extract_strided_slice %transpose3A_481 {offsets = [64, 0], sizes = [32, 1024], strides = [1, 1]} : vector<128x1024xi32> to vector<32x1024xi32>
    %shift_left3A_503 = arith.constant 16 : i32
    %shift_left3A_504 = vector.broadcast %shift_left3A_503 : i32 to vector<32x1024xi32>
    %shift_left3A_505 = arith.shli %slice3A_502, %shift_left3A_504 : vector<32x1024xi32>
    %bitcast_convert_type3A_506 = tpu.bitcast %shift_left3A_505 : vector<32x1024xi32> -> vector<32x1024xf32>
    %and3A_507 = arith.constant -65536 : i32
    %and3A_508 = vector.broadcast %and3A_507 : i32 to vector<32x1024xi32>
    %and3A_509 = arith.andi %slice3A_502, %and3A_508 : vector<32x1024xi32>
    %bitcast_convert_type3A_510 = tpu.bitcast %and3A_509 : vector<32x1024xi32> -> vector<32x1024xf32>
    %concatenate3A_511 = tpu.concatenate %bitcast_convert_type3A_506, %bitcast_convert_type3A_510 in 0 : vector<32x1024xf32>, vector<32x1024xf32> -> vector<64x1024xf32>
    %slice3A_512 = vector.extract_strided_slice %transpose3A_481 {offsets = [96, 0], sizes = [32, 1024], strides = [1, 1]} : vector<128x1024xi32> to vector<32x1024xi32>
    %shift_left3A_513 = arith.constant 16 : i32
    %shift_left3A_514 = vector.broadcast %shift_left3A_513 : i32 to vector<32x1024xi32>
    %shift_left3A_515 = arith.shli %slice3A_512, %shift_left3A_514 : vector<32x1024xi32>
    %bitcast_convert_type3A_516 = tpu.bitcast %shift_left3A_515 : vector<32x1024xi32> -> vector<32x1024xf32>
    %and3A_517 = arith.constant -65536 : i32
    %and3A_518 = vector.broadcast %and3A_517 : i32 to vector<32x1024xi32>
    %and3A_519 = arith.andi %slice3A_512, %and3A_518 : vector<32x1024xi32>
    %bitcast_convert_type3A_520 = tpu.bitcast %and3A_519 : vector<32x1024xi32> -> vector<32x1024xf32>
    %concatenate3A_521 = tpu.concatenate %bitcast_convert_type3A_516, %bitcast_convert_type3A_520 in 0 : vector<32x1024xf32>, vector<32x1024xf32> -> vector<64x1024xf32>
    %concatenate3A_522 = tpu.concatenate %concatenate3A_491, %concatenate3A_501, %concatenate3A_511, %concatenate3A_521 in 1 : vector<64x1024xf32>, vector<64x1024xf32>, vector<64x1024xf32>, vector<64x1024xf32> -> vector<64x4096xf32>
    %get3A_523 = arith.constant 5 : index
    %get3A_524 = arith.constant 0 : index
    %get3A_525 = arith.constant 0 : index
    %get3A_526 = vector.load %arg2[%get3A_523, %get3A_524, %get3A_525] : memref<8x1x4096xi32, #tpu.memory_space<vmem>>, vector<1x1x4096xi32>
    %get3A_527 = vector.shape_cast %get3A_526 : vector<1x1x4096xi32> to vector<1x4096xi32>
    %convert_element_type3A_528 = arith.sitofp %get3A_527 : vector<1x4096xi32> to vector<1x4096xf32>
    %get3A_529 = arith.constant 5 : index
    %get3A_530 = arith.constant 0 : index
    %get3A_531 = arith.constant 0 : index
    %get3A_532 = vector.load %arg3[%get3A_529, %get3A_530, %get3A_531] : memref<8x64x1xf32, #tpu.memory_space<vmem>>, vector<1x64x1xf32>
    %get3A_533 = vector.shape_cast %get3A_532 : vector<1x64x1xf32> to vector<64x1xf32>
    %add3A_534 = vector.broadcast %get3A_533 : vector<64x1xf32> to vector<64x4096xf32>
    %add3A_535 = arith.addf %concatenate3A_522, %add3A_534 : vector<64x4096xf32>
    %add3A_536 = vector.broadcast %get3A_10 : vector<64x1xf32> to vector<64x4096xf32>
    %add3A_537 = arith.addf %add3A_535, %add3A_536 : vector<64x4096xf32>
    %sub3A_538 = arith.subf %get3A_13, %get3A_10 : vector<64x1xf32>
    %mul3A_539 = vector.broadcast %convert_element_type3A_528 : vector<1x4096xf32> to vector<64x4096xf32>
    %mul3A_540 = vector.broadcast %sub3A_538 : vector<64x1xf32> to vector<64x4096xf32>
    %mul3A_541 = arith.mulf %mul3A_539, %mul3A_540 : vector<64x4096xf32>
    %add3A_542 = arith.addf %add3A_537, %mul3A_541 : vector<64x4096xf32>
    %reduce_sum3A_543 = arith.constant dense<0.000000e+00> : vector<4096xf32>
    %reduce_sum3A_544 = vector.multi_reduction <add>, %add3A_542, %reduce_sum3A_543 [0] : vector<64x4096xf32> to vector<4096xf32>
    %broadcast_in_dim3A_545 = vector.shape_cast %reduce_sum3A_544 : vector<4096xf32> to vector<1x4096xf32>
    %div3A_546 = arith.constant 6.400000e+01 : f32
    %div3A_547 = vector.broadcast %div3A_546 : f32 to vector<1x4096xf32>
    %div3A_548 = arith.divf %broadcast_in_dim3A_545, %div3A_547 : vector<1x4096xf32>
    %mul3A_549 = arith.mulf %add3A_542, %add3A_542 : vector<64x4096xf32>
    %reduce_sum3A_550 = arith.constant dense<0.000000e+00> : vector<4096xf32>
    %reduce_sum3A_551 = vector.multi_reduction <add>, %mul3A_549, %reduce_sum3A_550 [0] : vector<64x4096xf32> to vector<4096xf32>
    %broadcast_in_dim3A_552 = vector.shape_cast %reduce_sum3A_551 : vector<4096xf32> to vector<1x4096xf32>
    %div3A_553 = arith.constant 6.400000e+01 : f32
    %div3A_554 = vector.broadcast %div3A_553 : f32 to vector<1x4096xf32>
    %div3A_555 = arith.divf %broadcast_in_dim3A_552, %div3A_554 : vector<1x4096xf32>
    %mul3A_556 = arith.mulf %div3A_548, %div3A_548 : vector<1x4096xf32>
    %sub3A_557 = arith.subf %div3A_555, %mul3A_556 : vector<1x4096xf32>
    %sub3A_558 = vector.broadcast %div3A_548 : vector<1x4096xf32> to vector<64x4096xf32>
    %sub3A_559 = arith.subf %add3A_542, %sub3A_558 : vector<64x4096xf32>
    %add3A_560 = arith.constant 9.99999997E-7 : f32
    %add3A_561 = vector.broadcast %add3A_560 : f32 to vector<1x4096xf32>
    %add3A_562 = arith.addf %sub3A_557, %add3A_561 : vector<1x4096xf32>
    %rsqrt3A_563 = math.rsqrt %add3A_562 : vector<1x4096xf32>
    %mul3A_564 = vector.broadcast %rsqrt3A_563 : vector<1x4096xf32> to vector<64x4096xf32>
    %mul3A_565 = arith.mulf %sub3A_559, %mul3A_564 : vector<64x4096xf32>
    %mul3A_566 = vector.broadcast %get3A_4 : vector<64x1xf32> to vector<64x4096xf32>
    %mul3A_567 = arith.mulf %mul3A_565, %mul3A_566 : vector<64x4096xf32>
    %add3A_568 = vector.broadcast %get3A_7 : vector<64x1xf32> to vector<64x4096xf32>
    %add3A_569 = arith.addf %mul3A_567, %add3A_568 : vector<64x4096xf32>
    %swap3A_570 = arith.constant 5 : index
    %swap3A_571 = arith.constant 0 : index
    %swap3A_572 = arith.constant 0 : index
    %swap3A_573 = vector.load %arg5[%swap3A_570, %swap3A_571, %swap3A_572] : memref<8x64x4096xf32, #tpu.memory_space<vmem>>, vector<1x64x4096xf32>
    %swap3A_574 = vector.shape_cast %swap3A_573 : vector<1x64x4096xf32> to vector<64x4096xf32>
    %swap3A_575 = vector.shape_cast %add3A_569 : vector<64x4096xf32> to vector<1x64x4096xf32>
    tpu.vector_store %arg5[%swap3A_570, %swap3A_571, %swap3A_572], %swap3A_575 {strides = array<i32>} : memref<8x64x4096xf32, #tpu.memory_space<vmem>>, vector<1x64x4096xf32>,
    %slice3A_576 = vector.extract_strided_slice %bitcast_convert_type3A {offsets = [6144, 0], sizes = [1024, 128], strides = [1, 1]} : vector<8192x128xi32> to vector<1024x128xi32>
    %transpose3A_577 = tpu.transpose %slice3A_576, [1, 0] : vector<1024x128xi32> -> vector<128x1024xi32>
    %slice3A_578 = vector.extract_strided_slice %transpose3A_577 {offsets = [0, 0], sizes = [32, 1024], strides = [1, 1]} : vector<128x1024xi32> to vector<32x1024xi32>
    %shift_left3A_579 = arith.constant 16 : i32
    %shift_left3A_580 = vector.broadcast %shift_left3A_579 : i32 to vector<32x1024xi32>
    %shift_left3A_581 = arith.shli %slice3A_578, %shift_left3A_580 : vector<32x1024xi32>
    %bitcast_convert_type3A_582 = tpu.bitcast %shift_left3A_581 : vector<32x1024xi32> -> vector<32x1024xf32>
    %and3A_583 = arith.constant -65536 : i32
    %and3A_584 = vector.broadcast %and3A_583 : i32 to vector<32x1024xi32>
    %and3A_585 = arith.andi %slice3A_578, %and3A_584 : vector<32x1024xi32>
    %bitcast_convert_type3A_586 = tpu.bitcast %and3A_585 : vector<32x1024xi32> -> vector<32x1024xf32>
    %concatenate3A_587 = tpu.concatenate %bitcast_convert_type3A_582, %bitcast_convert_type3A_586 in 0 : vector<32x1024xf32>, vector<32x1024xf32> -> vector<64x1024xf32>
    %slice3A_588 = vector.extract_strided_slice %transpose3A_577 {offsets = [32, 0], sizes = [32, 1024], strides = [1, 1]} : vector<128x1024xi32> to vector<32x1024xi32>
    %shift_left3A_589 = arith.constant 16 : i32
    %shift_left3A_590 = vector.broadcast %shift_left3A_589 : i32 to vector<32x1024xi32>
    %shift_left3A_591 = arith.shli %slice3A_588, %shift_left3A_590 : vector<32x1024xi32>
    %bitcast_convert_type3A_592 = tpu.bitcast %shift_left3A_591 : vector<32x1024xi32> -> vector<32x1024xf32>
    %and3A_593 = arith.constant -65536 : i32
    %and3A_594 = vector.broadcast %and3A_593 : i32 to vector<32x1024xi32>
    %and3A_595 = arith.andi %slice3A_588, %and3A_594 : vector<32x1024xi32>
    %bitcast_convert_type3A_596 = tpu.bitcast %and3A_595 : vector<32x1024xi32> -> vector<32x1024xf32>
    %concatenate3A_597 = tpu.concatenate %bitcast_convert_type3A_592, %bitcast_convert_type3A_596 in 0 : vector<32x1024xf32>, vector<32x1024xf32> -> vector<64x1024xf32>
    %slice3A_598 = vector.extract_strided_slice %transpose3A_577 {offsets = [64, 0], sizes = [32, 1024], strides = [1, 1]} : vector<128x1024xi32> to vector<32x1024xi32>
    %shift_left3A_599 = arith.constant 16 : i32
    %shift_left3A_600 = vector.broadcast %shift_left3A_599 : i32 to vector<32x1024xi32>
    %shift_left3A_601 = arith.shli %slice3A_598, %shift_left3A_600 : vector<32x1024xi32>
    %bitcast_convert_type3A_602 = tpu.bitcast %shift_left3A_601 : vector<32x1024xi32> -> vector<32x1024xf32>
    %and3A_603 = arith.constant -65536 : i32
    %and3A_604 = vector.broadcast %and3A_603 : i32 to vector<32x1024xi32>
    %and3A_605 = arith.andi %slice3A_598, %and3A_604 : vector<32x1024xi32>
    %bitcast_convert_type3A_606 = tpu.bitcast %and3A_605 : vector<32x1024xi32> -> vector<32x1024xf32>
    %concatenate3A_607 = tpu.concatenate %bitcast_convert_type3A_602, %bitcast_convert_type3A_606 in 0 : vector<32x1024xf32>, vector<32x1024xf32> -> vector<64x1024xf32>
    %slice3A_608 = vector.extract_strided_slice %transpose3A_577 {offsets = [96, 0], sizes = [32, 1024], strides = [1, 1]} : vector<128x1024xi32> to vector<32x1024xi32>
    %shift_left3A_609 = arith.constant 16 : i32
    %shift_left3A_610 = vector.broadcast %shift_left3A_609 : i32 to vector<32x1024xi32>
    %shift_left3A_611 = arith.shli %slice3A_608, %shift_left3A_610 : vector<32x1024xi32>
    %bitcast_convert_type3A_612 = tpu.bitcast %shift_left3A_611 : vector<32x1024xi32> -> vector<32x1024xf32>
    %and3A_613 = arith.constant -65536 : i32
    %and3A_614 = vector.broadcast %and3A_613 : i32 to vector<32x1024xi32>
    %and3A_615 = arith.andi %slice3A_608, %and3A_614 : vector<32x1024xi32>
    %bitcast_convert_type3A_616 = tpu.bitcast %and3A_615 : vector<32x1024xi32> -> vector<32x1024xf32>
    %concatenate3A_617 = tpu.concatenate %bitcast_convert_type3A_612, %bitcast_convert_type3A_616 in 0 : vector<32x1024xf32>, vector<32x1024xf32> -> vector<64x1024xf32>
    %concatenate3A_618 = tpu.concatenate %concatenate3A_587, %concatenate3A_597, %concatenate3A_607, %concatenate3A_617 in 1 : vector<64x1024xf32>, vector<64x1024xf32>, vector<64x1024xf32>, vector<64x1024xf32> -> vector<64x4096xf32>
    %get3A_619 = arith.constant 6 : index
    %get3A_620 = arith.constant 0 : index
    %get3A_621 = arith.constant 0 : index
    %get3A_622 = vector.load %arg2[%get3A_619, %get3A_620, %get3A_621] : memref<8x1x4096xi32, #tpu.memory_space<vmem>>, vector<1x1x4096xi32>
    %get3A_623 = vector.shape_cast %get3A_622 : vector<1x1x4096xi32> to vector<1x4096xi32>
    %convert_element_type3A_624 = arith.sitofp %get3A_623 : vector<1x4096xi32> to vector<1x4096xf32>
    %get3A_625 = arith.constant 6 : index
    %get3A_626 = arith.constant 0 : index
    %get3A_627 = arith.constant 0 : index
    %get3A_628 = vector.load %arg3[%get3A_625, %get3A_626, %get3A_627] : memref<8x64x1xf32, #tpu.memory_space<vmem>>, vector<1x64x1xf32>
    %get3A_629 = vector.shape_cast %get3A_628 : vector<1x64x1xf32> to vector<64x1xf32>
    %add3A_630 = vector.broadcast %get3A_629 : vector<64x1xf32> to vector<64x4096xf32>
    %add3A_631 = arith.addf %concatenate3A_618, %add3A_630 : vector<64x4096xf32>
    %add3A_632 = vector.broadcast %get3A_10 : vector<64x1xf32> to vector<64x4096xf32>
    %add3A_633 = arith.addf %add3A_631, %add3A_632 : vector<64x4096xf32>
    %sub3A_634 = arith.subf %get3A_13, %get3A_10 : vector<64x1xf32>
    %mul3A_635 = vector.broadcast %convert_element_type3A_624 : vector<1x4096xf32> to vector<64x4096xf32>
    %mul3A_636 = vector.broadcast %sub3A_634 : vector<64x1xf32> to vector<64x4096xf32>
    %mul3A_637 = arith.mulf %mul3A_635, %mul3A_636 : vector<64x4096xf32>
    %add3A_638 = arith.addf %add3A_633, %mul3A_637 : vector<64x4096xf32>
    %reduce_sum3A_639 = arith.constant dense<0.000000e+00> : vector<4096xf32>
    %reduce_sum3A_640 = vector.multi_reduction <add>, %add3A_638, %reduce_sum3A_639 [0] : vector<64x4096xf32> to vector<4096xf32>
    %broadcast_in_dim3A_641 = vector.shape_cast %reduce_sum3A_640 : vector<4096xf32> to vector<1x4096xf32>
    %div3A_642 = arith.constant 6.400000e+01 : f32
    %div3A_643 = vector.broadcast %div3A_642 : f32 to vector<1x4096xf32>
    %div3A_644 = arith.divf %broadcast_in_dim3A_641, %div3A_643 : vector<1x4096xf32>
    %mul3A_645 = arith.mulf %add3A_638, %add3A_638 : vector<64x4096xf32>
    %reduce_sum3A_646 = arith.constant dense<0.000000e+00> : vector<4096xf32>
    %reduce_sum3A_647 = vector.multi_reduction <add>, %mul3A_645, %reduce_sum3A_646 [0] : vector<64x4096xf32> to vector<4096xf32>
    %broadcast_in_dim3A_648 = vector.shape_cast %reduce_sum3A_647 : vector<4096xf32> to vector<1x4096xf32>
    %div3A_649 = arith.constant 6.400000e+01 : f32
    %div3A_650 = vector.broadcast %div3A_649 : f32 to vector<1x4096xf32>
    %div3A_651 = arith.divf %broadcast_in_dim3A_648, %div3A_650 : vector<1x4096xf32>
    %mul3A_652 = arith.mulf %div3A_644, %div3A_644 : vector<1x4096xf32>
    %sub3A_653 = arith.subf %div3A_651, %mul3A_652 : vector<1x4096xf32>
    %sub3A_654 = vector.broadcast %div3A_644 : vector<1x4096xf32> to vector<64x4096xf32>
    %sub3A_655 = arith.subf %add3A_638, %sub3A_654 : vector<64x4096xf32>
    %add3A_656 = arith.constant 9.99999997E-7 : f32
    %add3A_657 = vector.broadcast %add3A_656 : f32 to vector<1x4096xf32>
    %add3A_658 = arith.addf %sub3A_653, %add3A_657 : vector<1x4096xf32>
    %rsqrt3A_659 = math.rsqrt %add3A_658 : vector<1x4096xf32>
    %mul3A_660 = vector.broadcast %rsqrt3A_659 : vector<1x4096xf32> to vector<64x4096xf32>
    %mul3A_661 = arith.mulf %sub3A_655, %mul3A_660 : vector<64x4096xf32>
    %mul3A_662 = vector.broadcast %get3A_4 : vector<64x1xf32> to vector<64x4096xf32>
    %mul3A_663 = arith.mulf %mul3A_661, %mul3A_662 : vector<64x4096xf32>
    %add3A_664 = vector.broadcast %get3A_7 : vector<64x1xf32> to vector<64x4096xf32>
    %add3A_665 = arith.addf %mul3A_663, %add3A_664 : vector<64x4096xf32>
    %swap3A_666 = arith.constant 6 : index
    %swap3A_667 = arith.constant 0 : index
    %swap3A_668 = arith.constant 0 : index
    %swap3A_669 = vector.load %arg5[%swap3A_666, %swap3A_667, %swap3A_668] : memref<8x64x4096xf32, #tpu.memory_space<vmem>>, vector<1x64x4096xf32>
    %swap3A_670 = vector.shape_cast %swap3A_669 : vector<1x64x4096xf32> to vector<64x4096xf32>
    %swap3A_671 = vector.shape_cast %add3A_665 : vector<64x4096xf32> to vector<1x64x4096xf32>
    tpu.vector_store %arg5[%swap3A_666, %swap3A_667, %swap3A_668], %swap3A_671 {strides = array<i32>} : memref<8x64x4096xf32, #tpu.memory_space<vmem>>, vector<1x64x4096xf32>,
    %slice3A_672 = vector.extract_strided_slice %bitcast_convert_type3A {offsets = [7168, 0], sizes = [1024, 128], strides = [1, 1]} : vector<8192x128xi32> to vector<1024x128xi32>
    %transpose3A_673 = tpu.transpose %slice3A_672, [1, 0] : vector<1024x128xi32> -> vector<128x1024xi32>
    %slice3A_674 = vector.extract_strided_slice %transpose3A_673 {offsets = [0, 0], sizes = [32, 1024], strides = [1, 1]} : vector<128x1024xi32> to vector<32x1024xi32>
    %shift_left3A_675 = arith.constant 16 : i32
    %shift_left3A_676 = vector.broadcast %shift_left3A_675 : i32 to vector<32x1024xi32>
    %shift_left3A_677 = arith.shli %slice3A_674, %shift_left3A_676 : vector<32x1024xi32>
    %bitcast_convert_type3A_678 = tpu.bitcast %shift_left3A_677 : vector<32x1024xi32> -> vector<32x1024xf32>
    %and3A_679 = arith.constant -65536 : i32
    %and3A_680 = vector.broadcast %and3A_679 : i32 to vector<32x1024xi32>
    %and3A_681 = arith.andi %slice3A_674, %and3A_680 : vector<32x1024xi32>
    %bitcast_convert_type3A_682 = tpu.bitcast %and3A_681 : vector<32x1024xi32> -> vector<32x1024xf32>
    %concatenate3A_683 = tpu.concatenate %bitcast_convert_type3A_678, %bitcast_convert_type3A_682 in 0 : vector<32x1024xf32>, vector<32x1024xf32> -> vector<64x1024xf32>
    %slice3A_684 = vector.extract_strided_slice %transpose3A_673 {offsets = [32, 0], sizes = [32, 1024], strides = [1, 1]} : vector<128x1024xi32> to vector<32x1024xi32>
    %shift_left3A_685 = arith.constant 16 : i32
    %shift_left3A_686 = vector.broadcast %shift_left3A_685 : i32 to vector<32x1024xi32>
    %shift_left3A_687 = arith.shli %slice3A_684, %shift_left3A_686 : vector<32x1024xi32>
    %bitcast_convert_type3A_688 = tpu.bitcast %shift_left3A_687 : vector<32x1024xi32> -> vector<32x1024xf32>
    %and3A_689 = arith.constant -65536 : i32
    %and3A_690 = vector.broadcast %and3A_689 : i32 to vector<32x1024xi32>
    %and3A_691 = arith.andi %slice3A_684, %and3A_690 : vector<32x1024xi32>
    %bitcast_convert_type3A_692 = tpu.bitcast %and3A_691 : vector<32x1024xi32> -> vector<32x1024xf32>
    %concatenate3A_693 = tpu.concatenate %bitcast_convert_type3A_688, %bitcast_convert_type3A_692 in 0 : vector<32x1024xf32>, vector<32x1024xf32> -> vector<64x1024xf32>
    %slice3A_694 = vector.extract_strided_slice %transpose3A_673 {offsets = [64, 0], sizes = [32, 1024], strides = [1, 1]} : vector<128x1024xi32> to vector<32x1024xi32>
    %shift_left3A_695 = arith.constant 16 : i32
    %shift_left3A_696 = vector.broadcast %shift_left3A_695 : i32 to vector<32x1024xi32>
    %shift_left3A_697 = arith.shli %slice3A_694, %shift_left3A_696 : vector<32x1024xi32>
    %bitcast_convert_type3A_698 = tpu.bitcast %shift_left3A_697 : vector<32x1024xi32> -> vector<32x1024xf32>
    %and3A_699 = arith.constant -65536 : i32
    %and3A_700 = vector.broadcast %and3A_699 : i32 to vector<32x1024xi32>
    %and3A_701 = arith.andi %slice3A_694, %and3A_700 : vector<32x1024xi32>
    %bitcast_convert_type3A_702 = tpu.bitcast %and3A_701 : vector<32x1024xi32> -> vector<32x1024xf32>
    %concatenate3A_703 = tpu.concatenate %bitcast_convert_type3A_698, %bitcast_convert_type3A_702 in 0 : vector<32x1024xf32>, vector<32x1024xf32> -> vector<64x1024xf32>
    %slice3A_704 = vector.extract_strided_slice %transpose3A_673 {offsets = [96, 0], sizes = [32, 1024], strides = [1, 1]} : vector<128x1024xi32> to vector<32x1024xi32>
    %shift_left3A_705 = arith.constant 16 : i32
    %shift_left3A_706 = vector.broadcast %shift_left3A_705 : i32 to vector<32x1024xi32>
    %shift_left3A_707 = arith.shli %slice3A_704, %shift_left3A_706 : vector<32x1024xi32>
    %bitcast_convert_type3A_708 = tpu.bitcast %shift_left3A_707 : vector<32x1024xi32> -> vector<32x1024xf32>
    %and3A_709 = arith.constant -65536 : i32
    %and3A_710 = vector.broadcast %and3A_709 : i32 to vector<32x1024xi32>
    %and3A_711 = arith.andi %slice3A_704, %and3A_710 : vector<32x1024xi32>
    %bitcast_convert_type3A_712 = tpu.bitcast %and3A_711 : vector<32x1024xi32> -> vector<32x1024xf32>
    %concatenate3A_713 = tpu.concatenate %bitcast_convert_type3A_708, %bitcast_convert_type3A_712 in 0 : vector<32x1024xf32>, vector<32x1024xf32> -> vector<64x1024xf32>
    %concatenate3A_714 = tpu.concatenate %concatenate3A_683, %concatenate3A_693, %concatenate3A_703, %concatenate3A_713 in 1 : vector<64x1024xf32>, vector<64x1024xf32>, vector<64x1024xf32>, vector<64x1024xf32> -> vector<64x4096xf32>
    %get3A_715 = arith.constant 7 : index
    %get3A_716 = arith.constant 0 : index
    %get3A_717 = arith.constant 0 : index
    %get3A_718 = vector.load %arg2[%get3A_715, %get3A_716, %get3A_717] : memref<8x1x4096xi32, #tpu.memory_space<vmem>>, vector<1x1x4096xi32>
    %get3A_719 = vector.shape_cast %get3A_718 : vector<1x1x4096xi32> to vector<1x4096xi32>
    %convert_element_type3A_720 = arith.sitofp %get3A_719 : vector<1x4096xi32> to vector<1x4096xf32>
    %get3A_721 = arith.constant 7 : index
    %get3A_722 = arith.constant 0 : index
    %get3A_723 = arith.constant 0 : index
    %get3A_724 = vector.load %arg3[%get3A_721, %get3A_722, %get3A_723] : memref<8x64x1xf32, #tpu.memory_space<vmem>>, vector<1x64x1xf32>
    %get3A_725 = vector.shape_cast %get3A_724 : vector<1x64x1xf32> to vector<64x1xf32>
    %add3A_726 = vector.broadcast %get3A_725 : vector<64x1xf32> to vector<64x4096xf32>
    %add3A_727 = arith.addf %concatenate3A_714, %add3A_726 : vector<64x4096xf32>
    %add3A_728 = vector.broadcast %get3A_10 : vector<64x1xf32> to vector<64x4096xf32>
    %add3A_729 = arith.addf %add3A_727, %add3A_728 : vector<64x4096xf32>
    %sub3A_730 = arith.subf %get3A_13, %get3A_10 : vector<64x1xf32>
    %mul3A_731 = vector.broadcast %convert_element_type3A_720 : vector<1x4096xf32> to vector<64x4096xf32>
    %mul3A_732 = vector.broadcast %sub3A_730 : vector<64x1xf32> to vector<64x4096xf32>
    %mul3A_733 = arith.mulf %mul3A_731, %mul3A_732 : vector<64x4096xf32>
    %add3A_734 = arith.addf %add3A_729, %mul3A_733 : vector<64x4096xf32>
    %reduce_sum3A_735 = arith.constant dense<0.000000e+00> : vector<4096xf32>
    %reduce_sum3A_736 = vector.multi_reduction <add>, %add3A_734, %reduce_sum3A_735 [0] : vector<64x4096xf32> to vector<4096xf32>
    %broadcast_in_dim3A_737 = vector.shape_cast %reduce_sum3A_736 : vector<4096xf32> to vector<1x4096xf32>
    %div3A_738 = arith.constant 6.400000e+01 : f32
    %div3A_739 = vector.broadcast %div3A_738 : f32 to vector<1x4096xf32>
    %div3A_740 = arith.divf %broadcast_in_dim3A_737, %div3A_739 : vector<1x4096xf32>
    %mul3A_741 = arith.mulf %add3A_734, %add3A_734 : vector<64x4096xf32>
    %reduce_sum3A_742 = arith.constant dense<0.000000e+00> : vector<4096xf32>
    %reduce_sum3A_743 = vector.multi_reduction <add>, %mul3A_741, %reduce_sum3A_742 [0] : vector<64x4096xf32> to vector<4096xf32>
    %broadcast_in_dim3A_744 = vector.shape_cast %reduce_sum3A_743 : vector<4096xf32> to vector<1x4096xf32>
    %div3A_745 = arith.constant 6.400000e+01 : f32
    %div3A_746 = vector.broadcast %div3A_745 : f32 to vector<1x4096xf32>
    %div3A_747 = arith.divf %broadcast_in_dim3A_744, %div3A_746 : vector<1x4096xf32>
    %mul3A_748 = arith.mulf %div3A_740, %div3A_740 : vector<1x4096xf32>
    %sub3A_749 = arith.subf %div3A_747, %mul3A_748 : vector<1x4096xf32>
    %sub3A_750 = vector.broadcast %div3A_740 : vector<1x4096xf32> to vector<64x4096xf32>
    %sub3A_751 = arith.subf %add3A_734, %sub3A_750 : vector<64x4096xf32>
    %add3A_752 = arith.constant 9.99999997E-7 : f32
    %add3A_753 = vector.broadcast %add3A_752 : f32 to vector<1x4096xf32>
    %add3A_754 = arith.addf %sub3A_749, %add3A_753 : vector<1x4096xf32>
    %rsqrt3A_755 = math.rsqrt %add3A_754 : vector<1x4096xf32>
    %mul3A_756 = vector.broadcast %rsqrt3A_755 : vector<1x4096xf32> to vector<64x4096xf32>
    %mul3A_757 = arith.mulf %sub3A_751, %mul3A_756 : vector<64x4096xf32>
    %mul3A_758 = vector.broadcast %get3A_4 : vector<64x1xf32> to vector<64x4096xf32>
    %mul3A_759 = arith.mulf %mul3A_757, %mul3A_758 : vector<64x4096xf32>
    %add3A_760 = vector.broadcast %get3A_7 : vector<64x1xf32> to vector<64x4096xf32>
    %add3A_761 = arith.addf %mul3A_759, %add3A_760 : vector<64x4096xf32>
    %swap3A_762 = arith.constant 7 : index
    %swap3A_763 = arith.constant 0 : index
    %swap3A_764 = arith.constant 0 : index
    %swap3A_765 = vector.load %arg5[%swap3A_762, %swap3A_763, %swap3A_764] : memref<8x64x4096xf32, #tpu.memory_space<vmem>>, vector<1x64x4096xf32>
    %swap3A_766 = vector.shape_cast %swap3A_765 : vector<1x64x4096xf32> to vector<64x4096xf32>
    %swap3A_767 = vector.shape_cast %add3A_761 : vector<64x4096xf32> to vector<1x64x4096xf32>
    tpu.vector_store %arg5[%swap3A_762, %swap3A_763, %swap3A_764], %swap3A_767 {strides = array<i32>} : memref<8x64x4096xf32, #tpu.memory_space<vmem>>, vector<1x64x4096xf32>,
    return
  }
  func.func @transform_0(%arg0: i32) -> (i32, i32) {
    %c0_i32 = arith.constant 0 : i32
    %c0_i32_0 = arith.constant 0 : i32
    return %arg0, %c0_i32 : i32, i32
  }
  func.func @transform_1(%arg0: i32) -> (i32, i32, i32) {
    %c0_i32 = arith.constant 0 : i32
    %c0_i32_0 = arith.constant 0 : i32
    %c0_i32_1 = arith.constant 0 : i32
    return %arg0, %c0_i32, %c0_i32_0 : i32, i32, i32
  }
  func.func @transform_2(%arg0: i32) -> (i32, i32, i32) {
    %c0_i32 = arith.constant 0 : i32
    %c0_i32_0 = arith.constant 0 : i32
    %c0_i32_1 = arith.constant 0 : i32
    return %arg0, %c0_i32, %c0_i32_0 : i32, i32, i32
  }
  func.func @transform_3(%arg0: i32) -> (i32, i32) {
    %c0_i32 = arith.constant 0 : i32
    %c0_i32_0 = arith.constant 0 : i32
    %c0_i32_1 = arith.constant 0 : i32
    return %c0_i32, %c0_i32_0 : i32, i32
  }
  func.func @transform_4(%arg0: i32) -> (i32, i32, i32) {
    %c0_i32 = arith.constant 0 : i32
    %c0_i32_0 = arith.constant 0 : i32
    %c0_i32_1 = arith.constant 0 : i32
    return %arg0, %c0_i32, %c0_i32_0 : i32, i32, i32
  }
}

</mosaic_0001>

<sc_bundles>
// kernel: kernel.5.cloned.1.call-start
scs
__scs_entry_jumppad:
0x0: {  	(pc) =	sbr.rel $0x88, $3  }
0x1: {  	(tag) =	ssettag $0x0;
	lr =	simm.s32 $0x1  }
0x2: {  	[smem:$0x3F9A] =	sst lr;
	_ =	strace $0xD0000000  }
0x3: {  	_ = 	snop  }
0x4: {  	_ = 	snop  }
0x5: {  	_ = 	snop  }
0x6: {  	_ = 	snop  }
0x7: {  	_ = 	snop  }
__scs_overlays_trampoline_lowered:
0x8: {  	[smem:$0x3FA9] =	sst s0  }
0x9: {  	[smem:$0x3FAA] =	sst s1  }
0xa: {  	[smem:$0x3FAB] =	sst s2  }
0xb: {  	[smem:$0x3FAC] =	sst s3  }
0xc: {  	[smem:$0x3FAD] =	sst s4  }
0xd: {  	[smem:$0x3FAE] =	sst s5  }
0xe: {  	[smem:$0x3FAF] =	sst s6  }
0xf: {  	[smem:$0x3FB0] =	sst s7  }
0x10: {  	[smem:$0x3FB1] =	sst s8  }
0x11: {  	[smem:$0x3FB2] =	sst s9;
	s0 =	simm.s32 @!p0 $0x0  }
0x12: {  	s1 =	sld [smem:$0x3F98];
	s0 =	simm.s32 @p0 $0x1  }
0x13: {  	[smem:$0x3FB3] =	sst s0;
	s0 =	simm.s32 @!p1 $0x0  }
0x14: {  	s2 =	sld [smem:$0x3F97];
	s0 =	simm.s32 @p1 $0x1  }
0x15: {  	[smem:$0x3FB4] =	sst s0;
	s0 =	simm.s32 @!p2 $0x0  }
0x16: {  	s3 =	sld [smem:$0x3FDB];
	s0 =	simm.s32 @p2 $0x1  }
0x17: {  	s4 =	simm.s32 $0x1BF5;
	[smem:$0x3FB6] =	sst s0  }
0x18: {  	s0 =	sld [smem:$0x3F99];
	_ =	swait.ge [sflag:s4], $0x0  }
0x19: {  	s7 =	sld [smem:$0x3F9A]  }
0x1a: {  	s8 =	sadd.s32 $0xFFFFE003, lr  }
0x1b: {  	s9 =	sadd.s32 $0xFFFFFEF7, lr;
	s5 =	simm.s32 $0xFFFFFFFF;
	p2 =	slt.u32 s8, $0xFFFFF086  }
0x1c: {  	p1 =	slt.u32 s9, $0xF7A;
	s5 =	simm.s32 @!p2 $0x0  }
0x1d: {  	s5 =	simm.s32 @p1 $0x1;
	p0 =	seq.s32 s7, s2  }
0x1e: {  	s7 =	smul.u32 @!p0 $0xF7A, s2;
	p2 =	seq.s32 @!p0 s5, $0x0  }
0x1f: {  	s9 =	smul.u32 $0xF7A, s1;
	s8 =	simm.s32 @!p0 $0x1BF5;
	p2 =	por !p2, p0  }
0x20: {  	[sflag:s8] =	ssyncset.s32 @!p0 $0xFFFFF086;
	s6 =	sadd.s32 @!p0 s3, s7;
	s7 =	simm.s32 @!p0 $0x108  }
0x21: {  	s3 =	sadd.s32 s3, s9;
	s6 =	sadd.s32 @!p0 $0x88, s6;
	s7 =	simm.s32 @p2 $0x1082  }
0x22: {  	[simem:s7], [sflag:s8] =	dma.local @!p0 [hbm:s6], $0xF7A  }
0x23: {  	s9 =	sor.u32 $0xD0000000, s2;
	s6 =	simm.s32 $0x108;
	_ =	swait.ge @!p0 [sflag:s8], $0x0  }
0x24: {  	s3 =	sadd.s32 $0x88, s3;
	s6 =	simm.s32 @!p1 $0x1082;
	[sflag:s4] =	ssyncset.s32 $0xFFFFF086  }
0x25: {  	[simem:s6], [sflag:s4] =	dma.local [hbm:s3], $0xF7A  }
0x26: {  	[smem:$0x3F9A] =	sst s1;
	(tag) =	ssettag s2;
	_ =	strace s9  }
0x27: {  	s1 =	sld [smem:$0x3FAA]  }
0x28: {  	s2 =	sld [smem:$0x3FAB]  }
0x29: {  	s4 =	sld [smem:$0x3FAD]  }
0x2a: {  	p0 =	seq.s32 s5, $0x0;
	s5 =	sld [smem:$0x3FAE]  }
0x2b: {  	s6 =	sld [smem:$0x3FAF]  }
0x2c: {  	s7 =	sld [smem:$0x3FB0]  }
0x2d: {  	s3 =	simm.s32 $0x108;
	s8 =	sld [smem:$0x3FB1]  }
0x2e: {  	s3 =	simm.s32 @!p0 $0x1082;
	s9 =	sld [smem:$0x3FB2]  }
0x2f: {  	lr =	sadd.s32 s0, s3;
	s0 =	sld [smem:$0x3FA9]  }
0x30: {  	s3 =	sld [smem:$0x3FAC]  }
0x31: {  	[smem:$0x3FB5] =	sst s10  }
0x32: {  	s10 =	sld [smem:$0x3FB3];
	_ =	sdelay $0x3  }
0x33: {  	p0 =	seq.s32 s10, $0x1;
	s10 =	sld [smem:$0x3FB5];
	_ =	sdelay $0x3  }
0x34: {  	[smem:$0x3FB5] =	sst s10  }
0x35: {  	s10 =	sld [smem:$0x3FB4];
	_ =	sdelay $0x3  }
0x36: {  	p1 =	seq.s32 s10, $0x1;
	s10 =	sld [smem:$0x3FB5];
	_ =	sdelay $0x3  }
0x37: {  	[smem:$0x3FB5] =	sst s10  }
0x38: {  	s10 =	sld [smem:$0x3FB6]  }
0x39: {  	_ = 	snop;
	(pc) =	sbr.ind lr, $3  }
0x3a: {  	_ = 	snop  }
0x3b: {  	_ = 	snop  }
0x3c: {  	p2 =	seq.s32 s10, $0x1;
	s10 =	sld [smem:$0x3FB5]  }
0x3d: {  	_ =	shalt  }
0x3e: {  	_ =	shalt  }
0x3f: {  	_ =	shalt  }
0x40: {  	_ =	shalt  }
0x41: {  	_ =	shalt  }
0x42: {  	_ =	shalt  }
0x43: {  	_ =	shalt  }
0x44: {  	_ =	shalt  }
0x45: {  	_ =	shalt  }
0x46: {  	_ =	shalt  }
0x47: {  	_ =	shalt  }
0x48: {  	_ =	shalt  }
0x49: {  	_ =	shalt  }
0x4a: {  	_ =	shalt  }
0x4b: {  	_ =	shalt  }
0x4c: {  	_ =	shalt  }
0x4d: {  	_ =	shalt  }
0x4e: {  	_ =	shalt  }
0x4f: {  	_ =	shalt  }
0x50: {  	_ =	shalt  }
0x51: {  	_ =	shalt  }
0x52: {  	_ =	shalt  }
0x53: {  	_ =	shalt  }
0x54: {  	_ =	shalt  }
0x55: {  	_ =	shalt  }
0x56: {  	_ =	shalt  }
0x57: {  	_ =	shalt  }
0x58: {  	_ =	shalt  }
0x59: {  	_ =	shalt  }
0x5a: {  	_ =	shalt  }
0x5b: {  	_ =	shalt  }
0x5c: {  	_ =	shalt  }
0x5d: {  	_ =	shalt  }
0x5e: {  	_ =	shalt  }
0x5f: {  	_ =	shalt  }
0x60: {  	_ =	shalt  }
0x61: {  	_ =	shalt  }
0x62: {  	_ =	shalt  }
0x63: {  	_ =	shalt  }
0x64: {  	_ =	shalt  }
0x65: {  	_ =	shalt  }
0x66: {  	_ =	shalt  }
0x67: {  	_ =	shalt  }
0x68: {  	_ =	shalt  }
0x69: {  	_ =	shalt  }
0x6a: {  	_ =	shalt  }
0x6b: {  	_ =	shalt  }
0x6c: {  	_ =	shalt  }
0x6d: {  	_ =	shalt  }
0x6e: {  	_ =	shalt  }
0x6f: {  	_ =	shalt  }
0x70: {  	_ =	shalt  }
0x71: {  	_ =	shalt  }
0x72: {  	_ =	shalt  }
0x73: {  	_ =	shalt  }
0x74: {  	_ =	shalt  }
0x75: {  	_ =	shalt  }
0x76: {  	_ =	shalt  }
0x77: {  	_ =	shalt  }
0x78: {  	_ =	shalt  }
0x79: {  	_ =	shalt  }
0x7a: {  	_ =	shalt  }
0x7b: {  	_ =	shalt  }
0x7c: {  	_ =	shalt  }
0x7d: {  	_ =	shalt  }
0x7e: {  	_ =	shalt  }
0x7f: {  	_ =	shalt  }
0x80: {  	_ =	shalt  }
0x81: {  	_ =	shalt  }
0x82: {  	_ =	shalt  }
0x83: {  	_ =	shalt  }
0x84: {  	_ =	shalt  }
0x85: {  	_ =	shalt  }
0x86: {  	_ =	shalt  }
0x87: {  	_ =	shalt  }
.Lfunc_end0:
.L_simem_size_0:
called_computation_lowered:
.L_overlay_start_0:
0x88: {  	s2 =	sld [smem:$0x3FD9]  }
0x89: {  	s3 =	sld [smem:$0x3FFE];
	_ =	sdelay $0x1  }
0x8a: {  	s1 =	srdreg.scid  }
0x8b: {  	s0 =	sand.u32 $0x1, s1  }
0x8c: {  	s17 =	sshll.u32 s0, $0xA;
	s2 =	sadd.s32 s3, s2  }
0x8d: {  	s2 =	sadd.s32 s2, s17  }
0x8e: {  	[smem:$0x3FC1] =	sst s2  }
0x8f: {  	_ = 	snop  }
0x90: {  	s2 =	sld [smem:$0x3FD0];
	(tm) =	ssettm $0x1  }
0x91: {  	s18 =	sld [smem:$0x3FFB];
	_ =	sdelay $0x3  }
0x92: {  	_ =	strace s18  }
0x93: {  	s3 =	sld [smem:$0x3FFC];
	_ =	sdelay $0x3  }
0x94: {  	_ =	strace s3  }
0x95: {  	s3 =	sld [smem:$0x3FFD];
	_ =	sdelay $0x3  }
0x96: {  	_ =	strace s3  }
0x97: {  	_ =	strace $0x8FFFFFFF  }
0x98: {  	s19 =	sld [smem:$0x3FDB];
	_ =	sdelay $0x1  }
0x99: {  	s4 =	simm.s32 $_scs_section_size  }
0x9a: {  	s5 =	simm.s32 $_size__tile_overlayer_lowered;
	s6 =	simm.s32 $_tile_overlayer_lowered  }
0x9b: {  	s22 =	simm.s32 $0x1BFF;
	s21 =	sshll.u32 s6, $0x1;
	s3 =	sadd.s32 s4, s19  }
0x9c: {  	s7 =	simm.s32 $0x0;
	s20 =	sshll.u32 s5, $0x1;
	s5 =	sadd.s32 s21, s3  }
0x9d: {  	[timem:s7], [sflag:s22] =	dma.local [hbm:s5], s20  }
0x9e: {  	_ =	swait.ge [sflag:s22], s20  }
0x9f: {  	s4 =	ssub.s32 $0x0, s20;
	[sflag:s22] =	ssyncset.done $0x0  }
0xa0: {  	[sflag:s22] =	ssyncadd.s32 s4;
	_ =	sdelay $0x1  }
0xa1: {  	s23 =	simm.s32 $0x1B8B  }
0xa2: {  	_ =	swait.ge [sflag:s23], $0x1  }
0xa3: {  	[sflag:s23] =	ssyncset.done $0x0  }
0xa4: {  	s25 =	simm.s32 $0x1B8E;
	s24 =	sld [smem:$0x3FFE];
	[sflag:s23] =	ssyncadd.s32 $0xFFFFFFFF  }
0xa5: {  	s26 =	simm.s32 $execute0_lowered;
	[smem:$0x3FD2] =	sst s25  }
0xa6: {  	s5 =	sshll.u32 s26, $0x1;
	_ =	strace $0x80000046;
	[dreg:$0x1] =	wrdreg $0xFFFFFFFF  }
0xa7: {  	s28 =	simm.s32 $_size_execute0_lowered;
	s3 =	sadd.s32 s3, s5;
	[dreg:$0x0] =	wrdreg $0x0  }
0xa8: {  	s5 =	sshll.u32 s28, $0x1;
	[dreg:$0x2] =	wrdreg s3  }
0xa9: {  	[dreg:$0x3] =	wrdreg s5  }
0xaa: {  	[dreg:$0x4] =	wrdreg $0xC0  }
0xab: {  	_ =	task [dreg:s7], $0x5FFFF  }
0xac: {  	[dreg:$0x1] =	wrdreg $0xFFFFFFFF  }
0xad: {  	[dreg:$0x0] =	wrdreg $0x60  }
0xae: {  	[dreg:$0x2] =	wrdreg s24  }
0xaf: {  	[dreg:$0x3] =	wrdreg s2  }
0xb0: {  	[dreg:$0x4] =	wrdreg $0x9  }
0xb1: {  	_ =	task.clear_ibuf [dreg:s7], $0x5FFFF;
	_ =	strace $0x90000046  }
0xb2: {  	s29 =	simm.s32 $0x9;
	_ =	strace $0x80000048  }
0xb3: {  	_ =	swait.ge [sflag:s29], $0x1  }
0xb4: {  	[sflag:s29] =	ssyncadd.s32 $0xFFFFFFFF  }
0xb5: {  	_ =	strace $0x90000048  }
0xb6: {  	_ =	sfence  }
0xb7: {  	s30 =	sld [smem:$0x0];
	_ =	sdelay $0x2  }
0xb8: {  	s31 =	sshll.u32 s1, $0xD;
	s1 =	sshrl.u32 s1, $0x2  }
0xb9: {  	s3 =	sand.u32 $0x4000, s31;
	s1 =	sadd.s32 s1, s30  }
0xba: {  	s0 =	sor.u32 s3, s0;
	s1 =	sshll.u32 s1, $0x11  }
0xbb: {  	s0 =	sor.u32 s1, s0  }
0xbc: {  	s0 =	sadd.s32 $0x8F2B, s0  }
0xbd: {  	[sflag:s0] =	ssyncadd.remote.s32 $0x1  }
0xbe: {  	_ =	sfence.sel $0xFFFF  }
0xbf: {  	[dreg:$0x0] =	wrdreg $0xFFFFFFFF;
	(pc) =	sbr.abs _section_cstart, $3  }
0xc0: {  	[dreg:$0x1] =	wrdreg $0xFFFFFFFF  }
0xc1: {  	_ =	task.clear_ibuf [dreg:s7], $0x2FFFF;
	_ =	strace $0x9FFFFFFF  }
0xc2: {  	(tm) =	ssettm $0x7FFFFFFF  }
0xc3: {  	_ =	shalt  }
tec
execute0_lowered:
.L_overlay_start_1:
0x0: {  	(tag) =	ssettag $0x1  }
0x1: {  	s4 =	rddreg [dreg:$0x0];
	s1 =	srdreg.scid  }
0x2: {  	s0 =	stileid.u32;
	s2 =	rddreg [dreg:$0x1];
	s3 =	simm.s32 $0x0  }
0x3: {  	s12 =	simm.s32 $0x2400;
	s13 =	simm.s32 $0x180;
	s14 =	simm.s32 $0x3400  }
0x4: {  	s15 =	simm.s32 $0x200;
	s16 =	simm.s32 $0x4400;
	s17 =	simm.s32 $0x280  }
0x5: {  	s18 =	simm.s32 $0x5400;
	s19 =	simm.s32 $0x300;
	s20 =	simm.s32 $0x6400  }
0x6: {  	s21 =	simm.s32 $0x380;
	s22 =	simm.s32 $0x7400;
	s23 =	simm.s32 $0x1  }
0x7: {  	s24 =	simm.s32 $0x20;
	s25 =	simm.s32 $0x0;
	s6 =	smul.u32 $0xC800, s0  }
0x8: {  	s5 =	sand.u32 $0x1, s1;
	[smem:$0x7FF] =	sst s3;
	s9 =	smul.u32 $0x190000, s0  }
0x9: {  	s10 =	sadd.s32 $0x1A000, s4;
	s7 =	smul.u32 $0x6400, s5;
	_ =	strace $0x80000047  }
0xa: {  	s8 =	ssub.s32 $0x2, s5;
	s5 =	smul.u32 $0xC8000, s5;
	[dreg:$0x3] =	wrdreg s10  }
0xb: {  	s10 =	simm.s32 $0x1400;
	s11 =	sshrl.u32 s8, $0x1;
	s6 =	sadd.s32 s7, s6  }
0xc: {  	s31 =	ssub.s32 s8, s11;
	s5 =	sadd.s32 s5, s9;
	s8 =	simm.s32 $0x80  }
0xd: {  	s9 =	simm.s32 $0x400;
	s11 =	simm.s32 $0x100;
	s7 =	sshrl.u32 s6, $0x3  }
0xe: {  	s6 =	sshrl.u32 s6, $0x5;
	s7 =	sadd.s32 s7, s4;
	s4 =	smax.u32 s31, $0x1  }
0xf: {  	[dreg:$0x4] =	wrdreg s6;
	s6 =	sadd.s32 $0x1000, s7;
	s7 =	simm.s32 $0x2  }
.LBB2_1:
0x10: {  	[tilespmem:s3], [sflag:$0x2] =	stream.linear.gather [hbm4b:s6+s3], $0x400, $0x38;
	[tilespmem:$0x8400] =	vst v63  }
0x11: {  	_ =	swait.ge [sflag:s7], $0x400  }
0x12: {  	[sflag:s7] =	ssyncset.done $0x0  }
0x13: {  	[sflag:s7] =	ssyncadd.s32 $0xFFFFFC00  }
0x14: {  	[tilespmem:s9], [sflag:$0x1] =	stream.indirect.gather [hbm4b:s2+s8], $0x20, s3, s8, $0xb8;
	[tilespmem:$0x8400] =	vst v63  }
0x15: {  	_ = 	snop  }
0x16: {  	[tilespmem:s10], [sflag:$0x1] =	stream.indirect.gather [hbm4b:s2+s8], $0x20, s8, s8, $0xb8;
	[tilespmem:$0x8400] =	vst v63  }
0x17: {  	_ = 	snop  }
0x18: {  	[tilespmem:s12], [sflag:$0x1] =	stream.indirect.gather [hbm4b:s2+s8], $0x20, s11, s8, $0xb8;
	[tilespmem:$0x8400] =	vst v63  }
0x19: {  	_ = 	snop  }
0x1a: {  	[tilespmem:s14], [sflag:$0x1] =	stream.indirect.gather [hbm4b:s2+s8], $0x20, s13, s8, $0xb8;
	[tilespmem:$0x8400] =	vst v63  }
0x1b: {  	_ = 	snop  }
0x1c: {  	[tilespmem:s16], [sflag:$0x1] =	stream.indirect.gather [hbm4b:s2+s8], $0x20, s15, s8, $0xb8;
	[tilespmem:$0x8400] =	vst v63  }
0x1d: {  	_ = 	snop  }
0x1e: {  	[tilespmem:s18], [sflag:$0x1] =	stream.indirect.gather [hbm4b:s2+s8], $0x20, s17, s8, $0xb8;
	[tilespmem:$0x8400] =	vst v63  }
0x1f: {  	_ = 	snop  }
0x20: {  	[tilespmem:s20], [sflag:$0x1] =	stream.indirect.gather [hbm4b:s2+s8], $0x20, s19, s8, $0xb8;
	[tilespmem:$0x8400] =	vst v63  }
0x21: {  	_ = 	snop  }
0x22: {  	[tilespmem:s22], [sflag:$0x1] =	stream.indirect.gather [hbm4b:s2+s8], $0x20, s21, s8, $0xb8;
	[tilespmem:$0x8400] =	vst v63  }
0x23: {  	_ =	swait.ge [sflag:s23], $0x1000  }
0x24: {  	[sflag:s23] =	ssyncset.done $0x0  }
0x25: {  	[sflag:s23] =	ssyncadd.s32 $0xFFFFF000  }
0x26: {  	_ =	swait.ge [sflag:s23], $0x1000  }
0x27: {  	[sflag:s23] =	ssyncset.done $0x0  }
0x28: {  	[sflag:s23] =	ssyncadd.s32 $0xFFFFF000  }
0x29: {  	_ =	swait.ge [sflag:s23], $0x1000  }
0x2a: {  	[sflag:s23] =	ssyncset.done $0x0  }
0x2b: {  	[sflag:s23] =	ssyncadd.s32 $0xFFFFF000  }
0x2c: {  	_ =	swait.ge [sflag:s23], $0x1000  }
0x2d: {  	[sflag:s23] =	ssyncset.done $0x0  }
0x2e: {  	[sflag:s23] =	ssyncadd.s32 $0xFFFFF000  }
0x2f: {  	_ =	swait.ge [sflag:s23], $0x1000  }
0x30: {  	[sflag:s23] =	ssyncset.done $0x0  }
0x31: {  	[sflag:s23] =	ssyncadd.s32 $0xFFFFF000  }
0x32: {  	_ =	swait.ge [sflag:s23], $0x1000  }
0x33: {  	[sflag:s23] =	ssyncset.done $0x0  }
0x34: {  	[sflag:s23] =	ssyncadd.s32 $0xFFFFF000  }
0x35: {  	_ =	swait.ge [sflag:s23], $0x1000  }
0x36: {  	[sflag:s23] =	ssyncset.done $0x0  }
0x37: {  	[sflag:s23] =	ssyncadd.s32 $0xFFFFF000  }
0x38: {  	_ =	swait.ge [sflag:s23], $0x1000  }
0x39: {  	s26 =	rddreg [dreg:$0x4]  }
0x3a: {  	s26 =	sadd.s32 $0x0, s26  }
0x3b: {  	s28 =	sand.u32 $0x7FFE0000, s5;
	s26 =	sand.u32 $0x60, s26  }
0x3c: {  	s26 =	sor.u32 s26, s28  }
0x3d: {  	s29 =	rddreg [dreg:$0x3];
	[sflag:s23] =	ssyncset.done $0x0;
	s26 =	sshrl.u32 s26, $0x3  }
0x3e: {  	[sflag:s23] =	ssyncadd.s32 $0xFFFFF000;
	s26 =	sadd.s32 s29, s26  }
0x3f: {  	[hbm4b:s26+s24] =	stream.strided.scatter [tilespmem:s9], [sflag:$0x2], $0x8000, s8, s24, $0x38;
	[tilespmem:$0x8400] =	vst v63  }
0x40: {  	s28 =	smov.u32 s5;
	_ =	swait.ge [sflag:s7], $0x8000  }
0x41: {  	s29 =	smov.u32 s6;
	s26 =	simm.s32 $0x20;
	[sflag:s7] =	ssyncset.done $0x0  }
.LBB2_2:
0x42: {  	[sflag:s7] =	ssyncadd.s32 $0xFFFF8000;
	s29 =	sadd.s32 $0x80, s29  }
0x43: {  	[tilespmem:s3], [sflag:$0x2] =	stream.linear.gather [hbm4b:s29+s3], $0x400, $0x38;
	[tilespmem:$0x8400] =	vst v63  }
0x44: {  	_ =	swait.ge [sflag:s7], $0x400  }
0x45: {  	[sflag:s7] =	ssyncset.done $0x0  }
0x46: {  	[sflag:s7] =	ssyncadd.s32 $0xFFFFFC00  }
0x47: {  	[tilespmem:s9], [sflag:$0x1] =	stream.indirect.gather [hbm4b:s2+s8], $0x20, s3, s8, $0xb8;
	[tilespmem:$0x8400] =	vst v63  }
0x48: {  	_ = 	snop  }
0x49: {  	[tilespmem:s10], [sflag:$0x1] =	stream.indirect.gather [hbm4b:s2+s8], $0x20, s8, s8, $0xb8;
	[tilespmem:$0x8400] =	vst v63  }
0x4a: {  	_ = 	snop  }
0x4b: {  	[tilespmem:s12], [sflag:$0x1] =	stream.indirect.gather [hbm4b:s2+s8], $0x20, s11, s8, $0xb8;
	[tilespmem:$0x8400] =	vst v63  }
0x4c: {  	_ = 	snop  }
0x4d: {  	[tilespmem:s14], [sflag:$0x1] =	stream.indirect.gather [hbm4b:s2+s8], $0x20, s13, s8, $0xb8;
	[tilespmem:$0x8400] =	vst v63  }
0x4e: {  	_ = 	snop  }
0x4f: {  	[tilespmem:s16], [sflag:$0x1] =	stream.indirect.gather [hbm4b:s2+s8], $0x20, s15, s8, $0xb8;
	[tilespmem:$0x8400] =	vst v63  }
0x50: {  	_ = 	snop  }
0x51: {  	[tilespmem:s18], [sflag:$0x1] =	stream.indirect.gather [hbm4b:s2+s8], $0x20, s17, s8, $0xb8;
	[tilespmem:$0x8400] =	vst v63  }
0x52: {  	_ = 	snop  }
0x53: {  	[tilespmem:s20], [sflag:$0x1] =	stream.indirect.gather [hbm4b:s2+s8], $0x20, s19, s8, $0xb8;
	[tilespmem:$0x8400] =	vst v63  }
0x54: {  	_ = 	snop  }
0x55: {  	[tilespmem:s22], [sflag:$0x1] =	stream.indirect.gather [hbm4b:s2+s8], $0x20, s21, s8, $0xb8;
	[tilespmem:$0x8400] =	vst v63  }
0x56: {  	_ =	swait.ge [sflag:s23], $0x1000  }
0x57: {  	[sflag:s23] =	ssyncset.done $0x0  }
0x58: {  	[sflag:s23] =	ssyncadd.s32 $0xFFFFF000  }
0x59: {  	_ =	swait.ge [sflag:s23], $0x1000  }
0x5a: {  	[sflag:s23] =	ssyncset.done $0x0  }
0x5b: {  	[sflag:s23] =	ssyncadd.s32 $0xFFFFF000  }
0x5c: {  	_ =	swait.ge [sflag:s23], $0x1000  }
0x5d: {  	[sflag:s23] =	ssyncset.done $0x0  }
0x5e: {  	[sflag:s23] =	ssyncadd.s32 $0xFFFFF000  }
0x5f: {  	_ =	swait.ge [sflag:s23], $0x1000  }
0x60: {  	[sflag:s23] =	ssyncset.done $0x0  }
0x61: {  	[sflag:s23] =	ssyncadd.s32 $0xFFFFF000  }
0x62: {  	_ =	swait.ge [sflag:s23], $0x1000  }
0x63: {  	[sflag:s23] =	ssyncset.done $0x0  }
0x64: {  	[sflag:s23] =	ssyncadd.s32 $0xFFFFF000  }
0x65: {  	_ =	swait.ge [sflag:s23], $0x1000  }
0x66: {  	[sflag:s23] =	ssyncset.done $0x0  }
0x67: {  	[sflag:s23] =	ssyncadd.s32 $0xFFFFF000  }
0x68: {  	_ =	swait.ge [sflag:s23], $0x1000  }
0x69: {  	[sflag:s23] =	ssyncset.done $0x0  }
0x6a: {  	[sflag:s23] =	ssyncadd.s32 $0xFFFFF000  }
0x6b: {  	_ =	swait.ge [sflag:s23], $0x1000  }
0x6c: {  	s30 =	smov.u32 s26;
	s31 =	rddreg [dreg:$0x4]  }
0x6d: {  	s28 =	sadd.s32 $0x8000, s28;
	s30 =	sadd.s32 s30, s31  }
0x6e: {  	s31 =	sand.u32 $0x7FFE0000, s28;
	s30 =	sand.u32 $0x60, s30  }
0x6f: {  	p0 =	sne.s32 s26, $0x300;
	s1 =	rddreg [dreg:$0x3];
	s30 =	sor.u32 s30, s31  }
.Ltmp0:
0x70: {  	[sflag:s23] =	ssyncset.done $0x0;
	s30 =	sshrl.u32 s30, $0x3;
	(pc) =	sbr.rel @p0 .LBB2_2-.Ltmp0, $4  }
0x71: {  	[sflag:s23] =	ssyncadd.s32 $0xFFFFF000;
	s1 =	sadd.s32 s1, s30  }
0x72: {  	[hbm4b:s1+s24] =	stream.strided.scatter [tilespmem:s9], [sflag:$0x2], $0x8000, s8, s24, $0x38;
	[tilespmem:$0x8400] =	vst v63  }
0x73: {  	_ =	swait.ge [sflag:s7], $0x8000  }
0x74: {  	s26 =	sadd.s32 $0x20, s26;
	[sflag:s7] =	ssyncset.done $0x0  }
0x75: {  	s25 =	sadd.s32 $0x1, s25  }
0x76: {  	p0 =	sne.s32 s25, s4  }
.Ltmp1:
0x77: {  	_ = 	snop;
	(pc) =	sbr.rel @p0 .LBB2_1-.Ltmp1, $2  }
0x78: {  	_ =	sdelay $0x2  }
0x79: {  	[sflag:s7] =	ssyncadd.s32 $0xFFFF8000  }
0x7a: {  	_ =	sfence.sel $0x180000  }
0x7b: {  	[bflag:$0x0] =	sbarrier.arrive $0xFFFF  }
0x7c: {  	_ =	strace $0x90000047  }
0x7d: {  	[bflag:$0x2] =	sbarrier.arrive $0xFFFF  }
0x7e: {  	p0 =	sne.s32 s0, $0x0;
	s0 =	rddreg [dreg:$0x2]  }
0x7f: {  	s0 =	sadd.s32 @!p0 $0x100000, s0  }
0x80: {  	[sflag:s0] =	ssyncadd.tile.s32 @!p0 $0x1;
	_ =	shalt  }
.Lfunc_end2:
_tile_overlayer_lowered:
.L_overlay_start_2:
0x81: {  	(tag) =	ssettag $0x2  }
0x82: {  	s0 =	rddreg [dreg:$0x0];
	s2 =	stileid.u32  }
0x83: {  	s1 =	rddreg [dreg:$0x1];
	p0 =	sne.s32 s2, $0x0  }
0x84: {  	s3 =	rddreg [dreg:$0x2];
	[bflag:$0x3] =	sbarrier.arrive $0xFFFF;
	s2 =	simm.s32 @!p0 $0x1C02  }
0x85: {  	[timem:s3], [sflag:s2] =	dma.local @!p0 [hbm:s0], s1  }
0x86: {  	s0 =	simm.s32 @!p0 $0x2  }
0x87: {  	_ =	swait.ge @!p0 [sflag:s0], s1  }
0x88: {  	s1 =	ssub.s32 @!p0 $0x0, s1;
	[sflag:s0] =	ssyncset.done @!p0 $0x0  }
0x89: {  	[sflag:s0] =	ssyncadd.s32 @!p0 s1  }
0x8a: {  	[bflag:$0x3] =	sbarrier.arrive $0xFFFF  }
0x8b: {  	_ =	shalt  }

</sc_bundles>
